<compile_context>
chip_gen: v7x
topology: tpu7x:2x2x1
jax: 0.10.2.dev20260603
libtpu: 0.0.44.dev20260713+nightly
codegen_flags: <defaults>
</compile_context>

<pallas_src>
import functools
import jax
import jax.numpy as jnp
from jax import lax
from jax.experimental import pallas as pl
from jax.experimental.pallas import tpu as pltpu
from jax.experimental.pallas import tpu_sc as plsc

NC = 2
NS = 16
NW = NC * NS
L = 16


def kernel(x, pos_table):
    B, S, D = x.shape
    xf = x.reshape(B * S * D)
    pf = pos_table.reshape(-1)
    rows_per_w = S // NW
    CH = 32
    n_ch = rows_per_w // CH
    CHW = CH * D
    U = 8

    mesh = plsc.VectorSubcoreMesh(
        core_axis_name="c", subcore_axis_name="s", num_cores=NC, num_subcores=NS
    )

    @functools.partial(
        pl.kernel,
        mesh=mesh,
        out_type=jax.ShapeDtypeStruct((B * S * D,), jnp.float32),
        scratch_types=[
            pltpu.VMEM((CHW,), jnp.float32),
            pltpu.VMEM((CHW,), jnp.float32),
        ],
    )
    def body(x_hbm, pos_hbm, out_hbm, posb, xb):
        wid = lax.axis_index("s") * NC + lax.axis_index("c")
        base_seq = wid * rows_per_w
        for c in range(n_ch):
            pos_off = (base_seq + c * CH) * D
            pltpu.sync_copy(pos_hbm.at[pl.ds(pos_off, CHW)], posb)
            for b in range(B):
                x_off = (b * S) * D + pos_off
                pltpu.sync_copy(x_hbm.at[pl.ds(x_off, CHW)], xb)

                @plsc.parallel_loop(0, CHW, step=L, unroll=U)
                def add_body(i):
                    plsc.addupdate(xb.at[pl.ds(i, L)], posb[pl.ds(i, L)])

                pltpu.sync_copy(xb, out_hbm.at[pl.ds(x_off, CHW)])

    out = body(xf, pf)
    return out.reshape(B, S, D)

# --- scband reference (transcript-rebuilt; emitter-appended) ---
"""Pipeline reference for scband-positional-encoding-1735166787655 (READ-ONLY COPY).

The authoritative reference and input builder live on the scoring server;
editing this copy changes nothing except your own understanding.
"""

import jax, jax.numpy as jnp
import numpy as np

D_MODEL = 1024
MAX_LEN = 8192
BATCH = 4
SEQ_LEN = 4096

def setup_inputs(seed: int = 0) -> dict:
    key = jax.random.key(seed)
    k1, k2 = jax.random.split(key)
    x = jax.random.normal(k1, (BATCH, SEQ_LEN, D_MODEL), dtype=jnp.float32)
    pos_table = jax.random.normal(k2, (MAX_LEN, D_MODEL), dtype=jnp.float32) * 0.02
    return {"x": x, "pos_table": pos_table}

def reference(x, pos_table):
    # position_ids = arange(seq_len); embedding lookup = gather rows of pos_table
    seq_len = x.shape[1]
    position_ids = jnp.arange(seq_len)
    pos_emb = jnp.take(pos_table, position_ids, axis=0)  # [seq_len, d_model]
    out = x + pos_emb[None, :, :]
    # dropout in eval mode -> identity
    return out

if __name__ == "__main__":
    import jax
    _d = setup_inputs()
    print(jax.jit(kernel)(*tuple(_d.values())))

</pallas_src>

<mosaic_0001>
#map = affine_map<(d0, d1) -> (0)>
module attributes {stable_mosaic.version = 14 : i64} {
  func.func @body(%arg0: i32, %arg1: i32, %arg2: memref<16777216xf32, #tpu.memory_space<hbm>>, %arg3: memref<8388608xf32, #tpu.memory_space<hbm>>, %arg4: memref<16777216xf32, #tpu.memory_space<hbm>>, %arg5: memref<32768xf32, #tpu.memory_space<vmem>>, %arg6: memref<32768xf32, #tpu.memory_space<vmem>>) attributes {dimension_semantics = [#tpu.dimension_semantics<core_parallel>, #tpu.dimension_semantics<subcore_parallel>], iteration_bounds = array<i64: 2, 16>, scalar_prefetch = 0 : i64, scratch_operands = 2 : i64, tpu.core_type = #tpu.core_type<sc_vector_subcore>, window_params = [{transform_indices = #map}, {transform_indices = #map}, {transform_indices = #map}]} {
    %mul3A = arith.constant 2 : i32
    %mul3A_0 = arith.muli %arg1, %mul3A : i32
    %add3A = arith.addi %mul3A_0, %arg0 : i32
    %mul3A_1 = arith.constant 128 : i32
    %mul3A_2 = arith.muli %add3A, %mul3A_1 : i32
    %add3A_3 = arith.constant 0 : i32
    %add3A_4 = arith.addi %mul3A_2, %add3A_3 : i32
    %mul3A_5 = arith.constant 1024 : i32
    %mul3A_6 = arith.muli %add3A_4, %mul3A_5 : i32
    "tpu.region"() ({
      %run_scoped3A = tpu.sem_alloc : memref<!tpu.dma_semaphore, #tpu.memory_space<semaphore_mem>>
      %dma_start3A = tpu.memref_slice %arg3[%mul3A_6] : memref<8388608xf32, #tpu.memory_space<hbm>> -> memref<32768xf32, #tpu.memory_space<hbm>>
      %dma_start3A_98 = tpu.memref_slice %arg3[%mul3A_6] : memref<8388608xf32, #tpu.memory_space<hbm>> -> memref<32768xf32, #tpu.memory_space<hbm>>
      tpu.enqueue_dma source(%dma_start3A_98 : memref<32768xf32, #tpu.memory_space<hbm>>) target(%arg5 : memref<32768xf32, #tpu.memory_space<vmem>>) target_semaphore(%run_scoped3A : memref<!tpu.dma_semaphore, #tpu.memory_space<semaphore_mem>>)
      %dma_wait3A = tpu.memref_slice %arg3[%mul3A_6] : memref<8388608xf32, #tpu.memory_space<hbm>> -> memref<32768xf32, #tpu.memory_space<hbm>>
      %dma_wait3A_99 = tpu.memref_slice %arg3[%mul3A_6] : memref<8388608xf32, #tpu.memory_space<hbm>> -> memref<32768xf32, #tpu.memory_space<hbm>>
      tpu.wait_dma2 semaphore(%run_scoped3A : memref<!tpu.dma_semaphore, #tpu.memory_space<semaphore_mem>>) src(%dma_wait3A_99 : memref<32768xf32, #tpu.memory_space<hbm>>) dst(%arg5 : memref<32768xf32, #tpu.memory_space<vmem>>)
      tpu.yield
    }) : () -> ()
    %add3A_7 = arith.constant 0 : i32
    %add3A_8 = arith.addi %add3A_7, %mul3A_6 : i32
    "tpu.region"() ({
      %run_scoped3A = tpu.sem_alloc : memref<!tpu.dma_semaphore, #tpu.memory_space<semaphore_mem>>
      %dma_start3A = tpu.memref_slice %arg2[%add3A_8] : memref<16777216xf32, #tpu.memory_space<hbm>> -> memref<32768xf32, #tpu.memory_space<hbm>>
      %dma_start3A_98 = tpu.memref_slice %arg2[%add3A_8] : memref<16777216xf32, #tpu.memory_space<hbm>> -> memref<32768xf32, #tpu.memory_space<hbm>>
      tpu.enqueue_dma source(%dma_start3A_98 : memref<32768xf32, #tpu.memory_space<hbm>>) target(%arg6 : memref<32768xf32, #tpu.memory_space<vmem>>) target_semaphore(%run_scoped3A : memref<!tpu.dma_semaphore, #tpu.memory_space<semaphore_mem>>)
      %dma_wait3A = tpu.memref_slice %arg2[%add3A_8] : memref<16777216xf32, #tpu.memory_space<hbm>> -> memref<32768xf32, #tpu.memory_space<hbm>>
      %dma_wait3A_99 = tpu.memref_slice %arg2[%add3A_8] : memref<16777216xf32, #tpu.memory_space<hbm>> -> memref<32768xf32, #tpu.memory_space<hbm>>
      tpu.wait_dma2 semaphore(%run_scoped3A : memref<!tpu.dma_semaphore, #tpu.memory_space<semaphore_mem>>) src(%dma_wait3A_99 : memref<32768xf32, #tpu.memory_space<hbm>>) dst(%arg6 : memref<32768xf32, #tpu.memory_space<vmem>>)
      tpu.yield
    }) : () -> ()
    %parallel_loop3A = arith.constant 0 : i32
    %parallel_loop3A_9 = arith.constant 32768 : i32
    %parallel_loop3A_10 = arith.constant 16 : i32
    scf.for %parallel_loop3A_98 = %parallel_loop3A to %parallel_loop3A_9 step %parallel_loop3A_10  : i32 {
      %parallel_loop3A_99 = arith.index_cast %parallel_loop3A_98 : i32 to index
      %parallel_loop3A_100 = tpu.vector_load %arg5[%parallel_loop3A_99] {strides = array<i32>} : memref<32768xf32, #tpu.memory_space<vmem>>, vector<16xf32>,
      %parallel_loop3A_101 = vector.shape_cast %parallel_loop3A_100 : vector<16xf32> to vector<16xf32>
      %parallel_loop3A_102 = arith.index_cast %parallel_loop3A_98 : i32 to index
      %parallel_loop3A_103 = tpu.vector_load %arg6[%parallel_loop3A_102] {strides = array<i32>} : memref<32768xf32, #tpu.memory_space<vmem>>, vector<16xf32>,
      %parallel_loop3A_104 = vector.shape_cast %parallel_loop3A_103 : vector<16xf32> to vector<16xf32>
      %parallel_loop3A_105 = vector.shape_cast %parallel_loop3A_101 : vector<16xf32> to vector<16xf32>
      tpu.vector_store %arg6[%parallel_loop3A_102], %parallel_loop3A_105 {add = true, strides = array<i32>} : memref<32768xf32, #tpu.memory_space<vmem>>, vector<16xf32>,
    } {sc.loop_unroll_factor = 8 : i64, sc.parallel_access}
    "tpu.region"() ({
      %run_scoped3A = tpu.sem_alloc : memref<!tpu.dma_semaphore, #tpu.memory_space<semaphore_mem>>
      %dma_start3A = tpu.memref_slice %arg4[%add3A_8] : memref<16777216xf32, #tpu.memory_space<hbm>> -> memref<32768xf32, #tpu.memory_space<hbm>>
      %dma_start3A_98 = tpu.memref_slice %arg4[%add3A_8] : memref<16777216xf32, #tpu.memory_space<hbm>> -> memref<32768xf32, #tpu.memory_space<hbm>>
      tpu.enqueue_dma source(%arg6 : memref<32768xf32, #tpu.memory_space<vmem>>) target(%dma_start3A_98 : memref<32768xf32, #tpu.memory_space<hbm>>) target_semaphore(%run_scoped3A : memref<!tpu.dma_semaphore, #tpu.memory_space<semaphore_mem>>)
      %dma_wait3A = tpu.memref_slice %arg4[%add3A_8] : memref<16777216xf32, #tpu.memory_space<hbm>> -> memref<32768xf32, #tpu.memory_space<hbm>>
      %dma_wait3A_99 = tpu.memref_slice %arg4[%add3A_8] : memref<16777216xf32, #tpu.memory_space<hbm>> -> memref<32768xf32, #tpu.memory_space<hbm>>
      tpu.wait_dma2 semaphore(%run_scoped3A : memref<!tpu.dma_semaphore, #tpu.memory_space<semaphore_mem>>) src(%arg6 : memref<32768xf32, #tpu.memory_space<vmem>>) dst(%dma_wait3A_99 : memref<32768xf32, #tpu.memory_space<hbm>>)
      tpu.yield
    }) : () -> ()
    %add3A_11 = arith.constant 4194304 : i32
    %add3A_12 = arith.addi %add3A_11, %mul3A_6 : i32
    "tpu.region"() ({
      %run_scoped3A = tpu.sem_alloc : memref<!tpu.dma_semaphore, #tpu.memory_space<semaphore_mem>>
      %dma_start3A = tpu.memref_slice %arg2[%add3A_12] : memref<16777216xf32, #tpu.memory_space<hbm>> -> memref<32768xf32, #tpu.memory_space<hbm>>
      %dma_start3A_98 = tpu.memref_slice %arg2[%add3A_12] : memref<16777216xf32, #tpu.memory_space<hbm>> -> memref<32768xf32, #tpu.memory_space<hbm>>
      tpu.enqueue_dma source(%dma_start3A_98 : memref<32768xf32, #tpu.memory_space<hbm>>) target(%arg6 : memref<32768xf32, #tpu.memory_space<vmem>>) target_semaphore(%run_scoped3A : memref<!tpu.dma_semaphore, #tpu.memory_space<semaphore_mem>>)
      %dma_wait3A = tpu.memref_slice %arg2[%add3A_12] : memref<16777216xf32, #tpu.memory_space<hbm>> -> memref<32768xf32, #tpu.memory_space<hbm>>
      %dma_wait3A_99 = tpu.memref_slice %arg2[%add3A_12] : memref<16777216xf32, #tpu.memory_space<hbm>> -> memref<32768xf32, #tpu.memory_space<hbm>>
      tpu.wait_dma2 semaphore(%run_scoped3A : memref<!tpu.dma_semaphore, #tpu.memory_space<semaphore_mem>>) src(%dma_wait3A_99 : memref<32768xf32, #tpu.memory_space<hbm>>) dst(%arg6 : memref<32768xf32, #tpu.memory_space<vmem>>)
      tpu.yield
    }) : () -> ()
    %parallel_loop3A_13 = arith.constant 0 : i32
    %parallel_loop3A_14 = arith.constant 32768 : i32
    %parallel_loop3A_15 = arith.constant 16 : i32
    scf.for %parallel_loop3A_98 = %parallel_loop3A_13 to %parallel_loop3A_14 step %parallel_loop3A_15  : i32 {
      %parallel_loop3A_99 = arith.index_cast %parallel_loop3A_98 : i32 to index
      %parallel_loop3A_100 = tpu.vector_load %arg5[%parallel_loop3A_99] {strides = array<i32>} : memref<32768xf32, #tpu.memory_space<vmem>>, vector<16xf32>,
      %parallel_loop3A_101 = vector.shape_cast %parallel_loop3A_100 : vector<16xf32> to vector<16xf32>
      %parallel_loop3A_102 = arith.index_cast %parallel_loop3A_98 : i32 to index
      %parallel_loop3A_103 = tpu.vector_load %arg6[%parallel_loop3A_102] {strides = array<i32>} : memref<32768xf32, #tpu.memory_space<vmem>>, vector<16xf32>,
      %parallel_loop3A_104 = vector.shape_cast %parallel_loop3A_103 : vector<16xf32> to vector<16xf32>
      %parallel_loop3A_105 = vector.shape_cast %parallel_loop3A_101 : vector<16xf32> to vector<16xf32>
      tpu.vector_store %arg6[%parallel_loop3A_102], %parallel_loop3A_105 {add = true, strides = array<i32>} : memref<32768xf32, #tpu.memory_space<vmem>>, vector<16xf32>,
    } {sc.loop_unroll_factor = 8 : i64, sc.parallel_access}
    "tpu.region"() ({
      %run_scoped3A = tpu.sem_alloc : memref<!tpu.dma_semaphore, #tpu.memory_space<semaphore_mem>>
      %dma_start3A = tpu.memref_slice %arg4[%add3A_12] : memref<16777216xf32, #tpu.memory_space<hbm>> -> memref<32768xf32, #tpu.memory_space<hbm>>
      %dma_start3A_98 = tpu.memref_slice %arg4[%add3A_12] : memref<16777216xf32, #tpu.memory_space<hbm>> -> memref<32768xf32, #tpu.memory_space<hbm>>
      tpu.enqueue_dma source(%arg6 : memref<32768xf32, #tpu.memory_space<vmem>>) target(%dma_start3A_98 : memref<32768xf32, #tpu.memory_space<hbm>>) target_semaphore(%run_scoped3A : memref<!tpu.dma_semaphore, #tpu.memory_space<semaphore_mem>>)
      %dma_wait3A = tpu.memref_slice %arg4[%add3A_12] : memref<16777216xf32, #tpu.memory_space<hbm>> -> memref<32768xf32, #tpu.memory_space<hbm>>
      %dma_wait3A_99 = tpu.memref_slice %arg4[%add3A_12] : memref<16777216xf32, #tpu.memory_space<hbm>> -> memref<32768xf32, #tpu.memory_space<hbm>>
      tpu.wait_dma2 semaphore(%run_scoped3A : memref<!tpu.dma_semaphore, #tpu.memory_space<semaphore_mem>>) src(%arg6 : memref<32768xf32, #tpu.memory_space<vmem>>) dst(%dma_wait3A_99 : memref<32768xf32, #tpu.memory_space<hbm>>)
      tpu.yield
    }) : () -> ()
    %add3A_16 = arith.constant 8388608 : i32
    %add3A_17 = arith.addi %add3A_16, %mul3A_6 : i32
    "tpu.region"() ({
      %run_scoped3A = tpu.sem_alloc : memref<!tpu.dma_semaphore, #tpu.memory_space<semaphore_mem>>
      %dma_start3A = tpu.memref_slice %arg2[%add3A_17] : memref<16777216xf32, #tpu.memory_space<hbm>> -> memref<32768xf32, #tpu.memory_space<hbm>>
      %dma_start3A_98 = tpu.memref_slice %arg2[%add3A_17] : memref<16777216xf32, #tpu.memory_space<hbm>> -> memref<32768xf32, #tpu.memory_space<hbm>>
      tpu.enqueue_dma source(%dma_start3A_98 : memref<32768xf32, #tpu.memory_space<hbm>>) target(%arg6 : memref<32768xf32, #tpu.memory_space<vmem>>) target_semaphore(%run_scoped3A : memref<!tpu.dma_semaphore, #tpu.memory_space<semaphore_mem>>)
      %dma_wait3A = tpu.memref_slice %arg2[%add3A_17] : memref<16777216xf32, #tpu.memory_space<hbm>> -> memref<32768xf32, #tpu.memory_space<hbm>>
      %dma_wait3A_99 = tpu.memref_slice %arg2[%add3A_17] : memref<16777216xf32, #tpu.memory_space<hbm>> -> memref<32768xf32, #tpu.memory_space<hbm>>
      tpu.wait_dma2 semaphore(%run_scoped3A : memref<!tpu.dma_semaphore, #tpu.memory_space<semaphore_mem>>) src(%dma_wait3A_99 : memref<32768xf32, #tpu.memory_space<hbm>>) dst(%arg6 : memref<32768xf32, #tpu.memory_space<vmem>>)
      tpu.yield
    }) : () -> ()
    %parallel_loop3A_18 = arith.constant 0 : i32
    %parallel_loop3A_19 = arith.constant 32768 : i32
    %parallel_loop3A_20 = arith.constant 16 : i32
    scf.for %parallel_loop3A_98 = %parallel_loop3A_18 to %parallel_loop3A_19 step %parallel_loop3A_20  : i32 {
      %parallel_loop3A_99 = arith.index_cast %parallel_loop3A_98 : i32 to index
      %parallel_loop3A_100 = tpu.vector_load %arg5[%parallel_loop3A_99] {strides = array<i32>} : memref<32768xf32, #tpu.memory_space<vmem>>, vector<16xf32>,
      %parallel_loop3A_101 = vector.shape_cast %parallel_loop3A_100 : vector<16xf32> to vector<16xf32>
      %parallel_loop3A_102 = arith.index_cast %parallel_loop3A_98 : i32 to index
      %parallel_loop3A_103 = tpu.vector_load %arg6[%parallel_loop3A_102] {strides = array<i32>} : memref<32768xf32, #tpu.memory_space<vmem>>, vector<16xf32>,
      %parallel_loop3A_104 = vector.shape_cast %parallel_loop3A_103 : vector<16xf32> to vector<16xf32>
      %parallel_loop3A_105 = vector.shape_cast %parallel_loop3A_101 : vector<16xf32> to vector<16xf32>
      tpu.vector_store %arg6[%parallel_loop3A_102], %parallel_loop3A_105 {add = true, strides = array<i32>} : memref<32768xf32, #tpu.memory_space<vmem>>, vector<16xf32>,
    } {sc.loop_unroll_factor = 8 : i64, sc.parallel_access}
    "tpu.region"() ({
      %run_scoped3A = tpu.sem_alloc : memref<!tpu.dma_semaphore, #tpu.memory_space<semaphore_mem>>
      %dma_start3A = tpu.memref_slice %arg4[%add3A_17] : memref<16777216xf32, #tpu.memory_space<hbm>> -> memref<32768xf32, #tpu.memory_space<hbm>>
      %dma_start3A_98 = tpu.memref_slice %arg4[%add3A_17] : memref<16777216xf32, #tpu.memory_space<hbm>> -> memref<32768xf32, #tpu.memory_space<hbm>>
      tpu.enqueue_dma source(%arg6 : memref<32768xf32, #tpu.memory_space<vmem>>) target(%dma_start3A_98 : memref<32768xf32, #tpu.memory_space<hbm>>) target_semaphore(%run_scoped3A : memref<!tpu.dma_semaphore, #tpu.memory_space<semaphore_mem>>)
      %dma_wait3A = tpu.memref_slice %arg4[%add3A_17] : memref<16777216xf32, #tpu.memory_space<hbm>> -> memref<32768xf32, #tpu.memory_space<hbm>>
      %dma_wait3A_99 = tpu.memref_slice %arg4[%add3A_17] : memref<16777216xf32, #tpu.memory_space<hbm>> -> memref<32768xf32, #tpu.memory_space<hbm>>
      tpu.wait_dma2 semaphore(%run_scoped3A : memref<!tpu.dma_semaphore, #tpu.memory_space<semaphore_mem>>) src(%arg6 : memref<32768xf32, #tpu.memory_space<vmem>>) dst(%dma_wait3A_99 : memref<32768xf32, #tpu.memory_space<hbm>>)
      tpu.yield
    }) : () -> ()
    %add3A_21 = arith.constant 12582912 : i32
    %add3A_22 = arith.addi %add3A_21, %mul3A_6 : i32
    "tpu.region"() ({
      %run_scoped3A = tpu.sem_alloc : memref<!tpu.dma_semaphore, #tpu.memory_space<semaphore_mem>>
      %dma_start3A = tpu.memref_slice %arg2[%add3A_22] : memref<16777216xf32, #tpu.memory_space<hbm>> -> memref<32768xf32, #tpu.memory_space<hbm>>
      %dma_start3A_98 = tpu.memref_slice %arg2[%add3A_22] : memref<16777216xf32, #tpu.memory_space<hbm>> -> memref<32768xf32, #tpu.memory_space<hbm>>
      tpu.enqueue_dma source(%dma_start3A_98 : memref<32768xf32, #tpu.memory_space<hbm>>) target(%arg6 : memref<32768xf32, #tpu.memory_space<vmem>>) target_semaphore(%run_scoped3A : memref<!tpu.dma_semaphore, #tpu.memory_space<semaphore_mem>>)
      %dma_wait3A = tpu.memref_slice %arg2[%add3A_22] : memref<16777216xf32, #tpu.memory_space<hbm>> -> memref<32768xf32, #tpu.memory_space<hbm>>
      %dma_wait3A_99 = tpu.memref_slice %arg2[%add3A_22] : memref<16777216xf32, #tpu.memory_space<hbm>> -> memref<32768xf32, #tpu.memory_space<hbm>>
      tpu.wait_dma2 semaphore(%run_scoped3A : memref<!tpu.dma_semaphore, #tpu.memory_space<semaphore_mem>>) src(%dma_wait3A_99 : memref<32768xf32, #tpu.memory_space<hbm>>) dst(%arg6 : memref<32768xf32, #tpu.memory_space<vmem>>)
      tpu.yield
    }) : () -> ()
    %parallel_loop3A_23 = arith.constant 0 : i32
    %parallel_loop3A_24 = arith.constant 32768 : i32
    %parallel_loop3A_25 = arith.constant 16 : i32
    scf.for %parallel_loop3A_98 = %parallel_loop3A_23 to %parallel_loop3A_24 step %parallel_loop3A_25  : i32 {
      %parallel_loop3A_99 = arith.index_cast %parallel_loop3A_98 : i32 to index
      %parallel_loop3A_100 = tpu.vector_load %arg5[%parallel_loop3A_99] {strides = array<i32>} : memref<32768xf32, #tpu.memory_space<vmem>>, vector<16xf32>,
      %parallel_loop3A_101 = vector.shape_cast %parallel_loop3A_100 : vector<16xf32> to vector<16xf32>
      %parallel_loop3A_102 = arith.index_cast %parallel_loop3A_98 : i32 to index
      %parallel_loop3A_103 = tpu.vector_load %arg6[%parallel_loop3A_102] {strides = array<i32>} : memref<32768xf32, #tpu.memory_space<vmem>>, vector<16xf32>,
      %parallel_loop3A_104 = vector.shape_cast %parallel_loop3A_103 : vector<16xf32> to vector<16xf32>
      %parallel_loop3A_105 = vector.shape_cast %parallel_loop3A_101 : vector<16xf32> to vector<16xf32>
      tpu.vector_store %arg6[%parallel_loop3A_102], %parallel_loop3A_105 {add = true, strides = array<i32>} : memref<32768xf32, #tpu.memory_space<vmem>>, vector<16xf32>,
    } {sc.loop_unroll_factor = 8 : i64, sc.parallel_access}
    "tpu.region"() ({
      %run_scoped3A = tpu.sem_alloc : memref<!tpu.dma_semaphore, #tpu.memory_space<semaphore_mem>>
      %dma_start3A = tpu.memref_slice %arg4[%add3A_22] : memref<16777216xf32, #tpu.memory_space<hbm>> -> memref<32768xf32, #tpu.memory_space<hbm>>
      %dma_start3A_98 = tpu.memref_slice %arg4[%add3A_22] : memref<16777216xf32, #tpu.memory_space<hbm>> -> memref<32768xf32, #tpu.memory_space<hbm>>
      tpu.enqueue_dma source(%arg6 : memref<32768xf32, #tpu.memory_space<vmem>>) target(%dma_start3A_98 : memref<32768xf32, #tpu.memory_space<hbm>>) target_semaphore(%run_scoped3A : memref<!tpu.dma_semaphore, #tpu.memory_space<semaphore_mem>>)
      %dma_wait3A = tpu.memref_slice %arg4[%add3A_22] : memref<16777216xf32, #tpu.memory_space<hbm>> -> memref<32768xf32, #tpu.memory_space<hbm>>
      %dma_wait3A_99 = tpu.memref_slice %arg4[%add3A_22] : memref<16777216xf32, #tpu.memory_space<hbm>> -> memref<32768xf32, #tpu.memory_space<hbm>>
      tpu.wait_dma2 semaphore(%run_scoped3A : memref<!tpu.dma_semaphore, #tpu.memory_space<semaphore_mem>>) src(%arg6 : memref<32768xf32, #tpu.memory_space<vmem>>) dst(%dma_wait3A_99 : memref<32768xf32, #tpu.memory_space<hbm>>)
      tpu.yield
    }) : () -> ()
    %add3A_26 = arith.constant 32 : i32
    %add3A_27 = arith.addi %mul3A_2, %add3A_26 : i32
    %mul3A_28 = arith.constant 1024 : i32
    %mul3A_29 = arith.muli %add3A_27, %mul3A_28 : i32
    "tpu.region"() ({
      %run_scoped3A = tpu.sem_alloc : memref<!tpu.dma_semaphore, #tpu.memory_space<semaphore_mem>>
      %dma_start3A = tpu.memref_slice %arg3[%mul3A_29] : memref<8388608xf32, #tpu.memory_space<hbm>> -> memref<32768xf32, #tpu.memory_space<hbm>>
      %dma_start3A_98 = tpu.memref_slice %arg3[%mul3A_29] : memref<8388608xf32, #tpu.memory_space<hbm>> -> memref<32768xf32, #tpu.memory_space<hbm>>
      tpu.enqueue_dma source(%dma_start3A_98 : memref<32768xf32, #tpu.memory_space<hbm>>) target(%arg5 : memref<32768xf32, #tpu.memory_space<vmem>>) target_semaphore(%run_scoped3A : memref<!tpu.dma_semaphore, #tpu.memory_space<semaphore_mem>>)
      %dma_wait3A = tpu.memref_slice %arg3[%mul3A_29] : memref<8388608xf32, #tpu.memory_space<hbm>> -> memref<32768xf32, #tpu.memory_space<hbm>>
      %dma_wait3A_99 = tpu.memref_slice %arg3[%mul3A_29] : memref<8388608xf32, #tpu.memory_space<hbm>> -> memref<32768xf32, #tpu.memory_space<hbm>>
      tpu.wait_dma2 semaphore(%run_scoped3A : memref<!tpu.dma_semaphore, #tpu.memory_space<semaphore_mem>>) src(%dma_wait3A_99 : memref<32768xf32, #tpu.memory_space<hbm>>) dst(%arg5 : memref<32768xf32, #tpu.memory_space<vmem>>)
      tpu.yield
    }) : () -> ()
    %add3A_30 = arith.constant 0 : i32
    %add3A_31 = arith.addi %add3A_30, %mul3A_29 : i32
    "tpu.region"() ({
      %run_scoped3A = tpu.sem_alloc : memref<!tpu.dma_semaphore, #tpu.memory_space<semaphore_mem>>
      %dma_start3A = tpu.memref_slice %arg2[%add3A_31] : memref<16777216xf32, #tpu.memory_space<hbm>> -> memref<32768xf32, #tpu.memory_space<hbm>>
      %dma_start3A_98 = tpu.memref_slice %arg2[%add3A_31] : memref<16777216xf32, #tpu.memory_space<hbm>> -> memref<32768xf32, #tpu.memory_space<hbm>>
      tpu.enqueue_dma source(%dma_start3A_98 : memref<32768xf32, #tpu.memory_space<hbm>>) target(%arg6 : memref<32768xf32, #tpu.memory_space<vmem>>) target_semaphore(%run_scoped3A : memref<!tpu.dma_semaphore, #tpu.memory_space<semaphore_mem>>)
      %dma_wait3A = tpu.memref_slice %arg2[%add3A_31] : memref<16777216xf32, #tpu.memory_space<hbm>> -> memref<32768xf32, #tpu.memory_space<hbm>>
      %dma_wait3A_99 = tpu.memref_slice %arg2[%add3A_31] : memref<16777216xf32, #tpu.memory_space<hbm>> -> memref<32768xf32, #tpu.memory_space<hbm>>
      tpu.wait_dma2 semaphore(%run_scoped3A : memref<!tpu.dma_semaphore, #tpu.memory_space<semaphore_mem>>) src(%dma_wait3A_99 : memref<32768xf32, #tpu.memory_space<hbm>>) dst(%arg6 : memref<32768xf32, #tpu.memory_space<vmem>>)
      tpu.yield
    }) : () -> ()
    %parallel_loop3A_32 = arith.constant 0 : i32
    %parallel_loop3A_33 = arith.constant 32768 : i32
    %parallel_loop3A_34 = arith.constant 16 : i32
    scf.for %parallel_loop3A_98 = %parallel_loop3A_32 to %parallel_loop3A_33 step %parallel_loop3A_34  : i32 {
      %parallel_loop3A_99 = arith.index_cast %parallel_loop3A_98 : i32 to index
      %parallel_loop3A_100 = tpu.vector_load %arg5[%parallel_loop3A_99] {strides = array<i32>} : memref<32768xf32, #tpu.memory_space<vmem>>, vector<16xf32>,
      %parallel_loop3A_101 = vector.shape_cast %parallel_loop3A_100 : vector<16xf32> to vector<16xf32>
      %parallel_loop3A_102 = arith.index_cast %parallel_loop3A_98 : i32 to index
      %parallel_loop3A_103 = tpu.vector_load %arg6[%parallel_loop3A_102] {strides = array<i32>} : memref<32768xf32, #tpu.memory_space<vmem>>, vector<16xf32>,
      %parallel_loop3A_104 = vector.shape_cast %parallel_loop3A_103 : vector<16xf32> to vector<16xf32>
      %parallel_loop3A_105 = vector.shape_cast %parallel_loop3A_101 : vector<16xf32> to vector<16xf32>
      tpu.vector_store %arg6[%parallel_loop3A_102], %parallel_loop3A_105 {add = true, strides = array<i32>} : memref<32768xf32, #tpu.memory_space<vmem>>, vector<16xf32>,
    } {sc.loop_unroll_factor = 8 : i64, sc.parallel_access}
    "tpu.region"() ({
      %run_scoped3A = tpu.sem_alloc : memref<!tpu.dma_semaphore, #tpu.memory_space<semaphore_mem>>
      %dma_start3A = tpu.memref_slice %arg4[%add3A_31] : memref<16777216xf32, #tpu.memory_space<hbm>> -> memref<32768xf32, #tpu.memory_space<hbm>>
      %dma_start3A_98 = tpu.memref_slice %arg4[%add3A_31] : memref<16777216xf32, #tpu.memory_space<hbm>> -> memref<32768xf32, #tpu.memory_space<hbm>>
      tpu.enqueue_dma source(%arg6 : memref<32768xf32, #tpu.memory_space<vmem>>) target(%dma_start3A_98 : memref<32768xf32, #tpu.memory_space<hbm>>) target_semaphore(%run_scoped3A : memref<!tpu.dma_semaphore, #tpu.memory_space<semaphore_mem>>)
      %dma_wait3A = tpu.memref_slice %arg4[%add3A_31] : memref<16777216xf32, #tpu.memory_space<hbm>> -> memref<32768xf32, #tpu.memory_space<hbm>>
      %dma_wait3A_99 = tpu.memref_slice %arg4[%add3A_31] : memref<16777216xf32, #tpu.memory_space<hbm>> -> memref<32768xf32, #tpu.memory_space<hbm>>
      tpu.wait_dma2 semaphore(%run_scoped3A : memref<!tpu.dma_semaphore, #tpu.memory_space<semaphore_mem>>) src(%arg6 : memref<32768xf32, #tpu.memory_space<vmem>>) dst(%dma_wait3A_99 : memref<32768xf32, #tpu.memory_space<hbm>>)
      tpu.yield
    }) : () -> ()
    %add3A_35 = arith.constant 4194304 : i32
    %add3A_36 = arith.addi %add3A_35, %mul3A_29 : i32
    "tpu.region"() ({
      %run_scoped3A = tpu.sem_alloc : memref<!tpu.dma_semaphore, #tpu.memory_space<semaphore_mem>>
      %dma_start3A = tpu.memref_slice %arg2[%add3A_36] : memref<16777216xf32, #tpu.memory_space<hbm>> -> memref<32768xf32, #tpu.memory_space<hbm>>
      %dma_start3A_98 = tpu.memref_slice %arg2[%add3A_36] : memref<16777216xf32, #tpu.memory_space<hbm>> -> memref<32768xf32, #tpu.memory_space<hbm>>
      tpu.enqueue_dma source(%dma_start3A_98 : memref<32768xf32, #tpu.memory_space<hbm>>) target(%arg6 : memref<32768xf32, #tpu.memory_space<vmem>>) target_semaphore(%run_scoped3A : memref<!tpu.dma_semaphore, #tpu.memory_space<semaphore_mem>>)
      %dma_wait3A = tpu.memref_slice %arg2[%add3A_36] : memref<16777216xf32, #tpu.memory_space<hbm>> -> memref<32768xf32, #tpu.memory_space<hbm>>
      %dma_wait3A_99 = tpu.memref_slice %arg2[%add3A_36] : memref<16777216xf32, #tpu.memory_space<hbm>> -> memref<32768xf32, #tpu.memory_space<hbm>>
      tpu.wait_dma2 semaphore(%run_scoped3A : memref<!tpu.dma_semaphore, #tpu.memory_space<semaphore_mem>>) src(%dma_wait3A_99 : memref<32768xf32, #tpu.memory_space<hbm>>) dst(%arg6 : memref<32768xf32, #tpu.memory_space<vmem>>)
      tpu.yield
    }) : () -> ()
    %parallel_loop3A_37 = arith.constant 0 : i32
    %parallel_loop3A_38 = arith.constant 32768 : i32
    %parallel_loop3A_39 = arith.constant 16 : i32
    scf.for %parallel_loop3A_98 = %parallel_loop3A_37 to %parallel_loop3A_38 step %parallel_loop3A_39  : i32 {
      %parallel_loop3A_99 = arith.index_cast %parallel_loop3A_98 : i32 to index
      %parallel_loop3A_100 = tpu.vector_load %arg5[%parallel_loop3A_99] {strides = array<i32>} : memref<32768xf32, #tpu.memory_space<vmem>>, vector<16xf32>,
      %parallel_loop3A_101 = vector.shape_cast %parallel_loop3A_100 : vector<16xf32> to vector<16xf32>
      %parallel_loop3A_102 = arith.index_cast %parallel_loop3A_98 : i32 to index
      %parallel_loop3A_103 = tpu.vector_load %arg6[%parallel_loop3A_102] {strides = array<i32>} : memref<32768xf32, #tpu.memory_space<vmem>>, vector<16xf32>,
      %parallel_loop3A_104 = vector.shape_cast %parallel_loop3A_103 : vector<16xf32> to vector<16xf32>
      %parallel_loop3A_105 = vector.shape_cast %parallel_loop3A_101 : vector<16xf32> to vector<16xf32>
      tpu.vector_store %arg6[%parallel_loop3A_102], %parallel_loop3A_105 {add = true, strides = array<i32>} : memref<32768xf32, #tpu.memory_space<vmem>>, vector<16xf32>,
    } {sc.loop_unroll_factor = 8 : i64, sc.parallel_access}
    "tpu.region"() ({
      %run_scoped3A = tpu.sem_alloc : memref<!tpu.dma_semaphore, #tpu.memory_space<semaphore_mem>>
      %dma_start3A = tpu.memref_slice %arg4[%add3A_36] : memref<16777216xf32, #tpu.memory_space<hbm>> -> memref<32768xf32, #tpu.memory_space<hbm>>
      %dma_start3A_98 = tpu.memref_slice %arg4[%add3A_36] : memref<16777216xf32, #tpu.memory_space<hbm>> -> memref<32768xf32, #tpu.memory_space<hbm>>
      tpu.enqueue_dma source(%arg6 : memref<32768xf32, #tpu.memory_space<vmem>>) target(%dma_start3A_98 : memref<32768xf32, #tpu.memory_space<hbm>>) target_semaphore(%run_scoped3A : memref<!tpu.dma_semaphore, #tpu.memory_space<semaphore_mem>>)
      %dma_wait3A = tpu.memref_slice %arg4[%add3A_36] : memref<16777216xf32, #tpu.memory_space<hbm>> -> memref<32768xf32, #tpu.memory_space<hbm>>
      %dma_wait3A_99 = tpu.memref_slice %arg4[%add3A_36] : memref<16777216xf32, #tpu.memory_space<hbm>> -> memref<32768xf32, #tpu.memory_space<hbm>>
      tpu.wait_dma2 semaphore(%run_scoped3A : memref<!tpu.dma_semaphore, #tpu.memory_space<semaphore_mem>>) src(%arg6 : memref<32768xf32, #tpu.memory_space<vmem>>) dst(%dma_wait3A_99 : memref<32768xf32, #tpu.memory_space<hbm>>)
      tpu.yield
    }) : () -> ()
    %add3A_40 = arith.constant 8388608 : i32
    %add3A_41 = arith.addi %add3A_40, %mul3A_29 : i32
    "tpu.region"() ({
      %run_scoped3A = tpu.sem_alloc : memref<!tpu.dma_semaphore, #tpu.memory_space<semaphore_mem>>
      %dma_start3A = tpu.memref_slice %arg2[%add3A_41] : memref<16777216xf32, #tpu.memory_space<hbm>> -> memref<32768xf32, #tpu.memory_space<hbm>>
      %dma_start3A_98 = tpu.memref_slice %arg2[%add3A_41] : memref<16777216xf32, #tpu.memory_space<hbm>> -> memref<32768xf32, #tpu.memory_space<hbm>>
      tpu.enqueue_dma source(%dma_start3A_98 : memref<32768xf32, #tpu.memory_space<hbm>>) target(%arg6 : memref<32768xf32, #tpu.memory_space<vmem>>) target_semaphore(%run_scoped3A : memref<!tpu.dma_semaphore, #tpu.memory_space<semaphore_mem>>)
      %dma_wait3A = tpu.memref_slice %arg2[%add3A_41] : memref<16777216xf32, #tpu.memory_space<hbm>> -> memref<32768xf32, #tpu.memory_space<hbm>>
      %dma_wait3A_99 = tpu.memref_slice %arg2[%add3A_41] : memref<16777216xf32, #tpu.memory_space<hbm>> -> memref<32768xf32, #tpu.memory_space<hbm>>
      tpu.wait_dma2 semaphore(%run_scoped3A : memref<!tpu.dma_semaphore, #tpu.memory_space<semaphore_mem>>) src(%dma_wait3A_99 : memref<32768xf32, #tpu.memory_space<hbm>>) dst(%arg6 : memref<32768xf32, #tpu.memory_space<vmem>>)
      tpu.yield
    }) : () -> ()
    %parallel_loop3A_42 = arith.constant 0 : i32
    %parallel_loop3A_43 = arith.constant 32768 : i32
    %parallel_loop3A_44 = arith.constant 16 : i32
    scf.for %parallel_loop3A_98 = %parallel_loop3A_42 to %parallel_loop3A_43 step %parallel_loop3A_44  : i32 {
      %parallel_loop3A_99 = arith.index_cast %parallel_loop3A_98 : i32 to index
      %parallel_loop3A_100 = tpu.vector_load %arg5[%parallel_loop3A_99] {strides = array<i32>} : memref<32768xf32, #tpu.memory_space<vmem>>, vector<16xf32>,
      %parallel_loop3A_101 = vector.shape_cast %parallel_loop3A_100 : vector<16xf32> to vector<16xf32>
      %parallel_loop3A_102 = arith.index_cast %parallel_loop3A_98 : i32 to index
      %parallel_loop3A_103 = tpu.vector_load %arg6[%parallel_loop3A_102] {strides = array<i32>} : memref<32768xf32, #tpu.memory_space<vmem>>, vector<16xf32>,
      %parallel_loop3A_104 = vector.shape_cast %parallel_loop3A_103 : vector<16xf32> to vector<16xf32>
      %parallel_loop3A_105 = vector.shape_cast %parallel_loop3A_101 : vector<16xf32> to vector<16xf32>
      tpu.vector_store %arg6[%parallel_loop3A_102], %parallel_loop3A_105 {add = true, strides = array<i32>} : memref<32768xf32, #tpu.memory_space<vmem>>, vector<16xf32>,
    } {sc.loop_unroll_factor = 8 : i64, sc.parallel_access}
    "tpu.region"() ({
      %run_scoped3A = tpu.sem_alloc : memref<!tpu.dma_semaphore, #tpu.memory_space<semaphore_mem>>
      %dma_start3A = tpu.memref_slice %arg4[%add3A_41] : memref<16777216xf32, #tpu.memory_space<hbm>> -> memref<32768xf32, #tpu.memory_space<hbm>>
      %dma_start3A_98 = tpu.memref_slice %arg4[%add3A_41] : memref<16777216xf32, #tpu.memory_space<hbm>> -> memref<32768xf32, #tpu.memory_space<hbm>>
      tpu.enqueue_dma source(%arg6 : memref<32768xf32, #tpu.memory_space<vmem>>) target(%dma_start3A_98 : memref<32768xf32, #tpu.memory_space<hbm>>) target_semaphore(%run_scoped3A : memref<!tpu.dma_semaphore, #tpu.memory_space<semaphore_mem>>)
      %dma_wait3A = tpu.memref_slice %arg4[%add3A_41] : memref<16777216xf32, #tpu.memory_space<hbm>> -> memref<32768xf32, #tpu.memory_space<hbm>>
      %dma_wait3A_99 = tpu.memref_slice %arg4[%add3A_41] : memref<16777216xf32, #tpu.memory_space<hbm>> -> memref<32768xf32, #tpu.memory_space<hbm>>
      tpu.wait_dma2 semaphore(%run_scoped3A : memref<!tpu.dma_semaphore, #tpu.memory_space<semaphore_mem>>) src(%arg6 : memref<32768xf32, #tpu.memory_space<vmem>>) dst(%dma_wait3A_99 : memref<32768xf32, #tpu.memory_space<hbm>>)
      tpu.yield
    }) : () -> ()
    %add3A_45 = arith.constant 12582912 : i32
    %add3A_46 = arith.addi %add3A_45, %mul3A_29 : i32
    "tpu.region"() ({
      %run_scoped3A = tpu.sem_alloc : memref<!tpu.dma_semaphore, #tpu.memory_space<semaphore_mem>>
      %dma_start3A = tpu.memref_slice %arg2[%add3A_46] : memref<16777216xf32, #tpu.memory_space<hbm>> -> memref<32768xf32, #tpu.memory_space<hbm>>
      %dma_start3A_98 = tpu.memref_slice %arg2[%add3A_46] : memref<16777216xf32, #tpu.memory_space<hbm>> -> memref<32768xf32, #tpu.memory_space<hbm>>
      tpu.enqueue_dma source(%dma_start3A_98 : memref<32768xf32, #tpu.memory_space<hbm>>) target(%arg6 : memref<32768xf32, #tpu.memory_space<vmem>>) target_semaphore(%run_scoped3A : memref<!tpu.dma_semaphore, #tpu.memory_space<semaphore_mem>>)
      %dma_wait3A = tpu.memref_slice %arg2[%add3A_46] : memref<16777216xf32, #tpu.memory_space<hbm>> -> memref<32768xf32, #tpu.memory_space<hbm>>
      %dma_wait3A_99 = tpu.memref_slice %arg2[%add3A_46] : memref<16777216xf32, #tpu.memory_space<hbm>> -> memref<32768xf32, #tpu.memory_space<hbm>>
      tpu.wait_dma2 semaphore(%run_scoped3A : memref<!tpu.dma_semaphore, #tpu.memory_space<semaphore_mem>>) src(%dma_wait3A_99 : memref<32768xf32, #tpu.memory_space<hbm>>) dst(%arg6 : memref<32768xf32, #tpu.memory_space<vmem>>)
      tpu.yield
    }) : () -> ()
    %parallel_loop3A_47 = arith.constant 0 : i32
    %parallel_loop3A_48 = arith.constant 32768 : i32
    %parallel_loop3A_49 = arith.constant 16 : i32
    scf.for %parallel_loop3A_98 = %parallel_loop3A_47 to %parallel_loop3A_48 step %parallel_loop3A_49  : i32 {
      %parallel_loop3A_99 = arith.index_cast %parallel_loop3A_98 : i32 to index
      %parallel_loop3A_100 = tpu.vector_load %arg5[%parallel_loop3A_99] {strides = array<i32>} : memref<32768xf32, #tpu.memory_space<vmem>>, vector<16xf32>,
      %parallel_loop3A_101 = vector.shape_cast %parallel_loop3A_100 : vector<16xf32> to vector<16xf32>
      %parallel_loop3A_102 = arith.index_cast %parallel_loop3A_98 : i32 to index
      %parallel_loop3A_103 = tpu.vector_load %arg6[%parallel_loop3A_102] {strides = array<i32>} : memref<32768xf32, #tpu.memory_space<vmem>>, vector<16xf32>,
      %parallel_loop3A_104 = vector.shape_cast %parallel_loop3A_103 : vector<16xf32> to vector<16xf32>
      %parallel_loop3A_105 = vector.shape_cast %parallel_loop3A_101 : vector<16xf32> to vector<16xf32>
      tpu.vector_store %arg6[%parallel_loop3A_102], %parallel_loop3A_105 {add = true, strides = array<i32>} : memref<32768xf32, #tpu.memory_space<vmem>>, vector<16xf32>,
    } {sc.loop_unroll_factor = 8 : i64, sc.parallel_access}
    "tpu.region"() ({
      %run_scoped3A = tpu.sem_alloc : memref<!tpu.dma_semaphore, #tpu.memory_space<semaphore_mem>>
      %dma_start3A = tpu.memref_slice %arg4[%add3A_46] : memref<16777216xf32, #tpu.memory_space<hbm>> -> memref<32768xf32, #tpu.memory_space<hbm>>
      %dma_start3A_98 = tpu.memref_slice %arg4[%add3A_46] : memref<16777216xf32, #tpu.memory_space<hbm>> -> memref<32768xf32, #tpu.memory_space<hbm>>
      tpu.enqueue_dma source(%arg6 : memref<32768xf32, #tpu.memory_space<vmem>>) target(%dma_start3A_98 : memref<32768xf32, #tpu.memory_space<hbm>>) target_semaphore(%run_scoped3A : memref<!tpu.dma_semaphore, #tpu.memory_space<semaphore_mem>>)
      %dma_wait3A = tpu.memref_slice %arg4[%add3A_46] : memref<16777216xf32, #tpu.memory_space<hbm>> -> memref<32768xf32, #tpu.memory_space<hbm>>
      %dma_wait3A_99 = tpu.memref_slice %arg4[%add3A_46] : memref<16777216xf32, #tpu.memory_space<hbm>> -> memref<32768xf32, #tpu.memory_space<hbm>>
      tpu.wait_dma2 semaphore(%run_scoped3A : memref<!tpu.dma_semaphore, #tpu.memory_space<semaphore_mem>>) src(%arg6 : memref<32768xf32, #tpu.memory_space<vmem>>) dst(%dma_wait3A_99 : memref<32768xf32, #tpu.memory_space<hbm>>)
      tpu.yield
    }) : () -> ()
    %add3A_50 = arith.constant 64 : i32
    %add3A_51 = arith.addi %mul3A_2, %add3A_50 : i32
    %mul3A_52 = arith.constant 1024 : i32
    %mul3A_53 = arith.muli %add3A_51, %mul3A_52 : i32
    "tpu.region"() ({
      %run_scoped3A = tpu.sem_alloc : memref<!tpu.dma_semaphore, #tpu.memory_space<semaphore_mem>>
      %dma_start3A = tpu.memref_slice %arg3[%mul3A_53] : memref<8388608xf32, #tpu.memory_space<hbm>> -> memref<32768xf32, #tpu.memory_space<hbm>>
      %dma_start3A_98 = tpu.memref_slice %arg3[%mul3A_53] : memref<8388608xf32, #tpu.memory_space<hbm>> -> memref<32768xf32, #tpu.memory_space<hbm>>
      tpu.enqueue_dma source(%dma_start3A_98 : memref<32768xf32, #tpu.memory_space<hbm>>) target(%arg5 : memref<32768xf32, #tpu.memory_space<vmem>>) target_semaphore(%run_scoped3A : memref<!tpu.dma_semaphore, #tpu.memory_space<semaphore_mem>>)
      %dma_wait3A = tpu.memref_slice %arg3[%mul3A_53] : memref<8388608xf32, #tpu.memory_space<hbm>> -> memref<32768xf32, #tpu.memory_space<hbm>>
      %dma_wait3A_99 = tpu.memref_slice %arg3[%mul3A_53] : memref<8388608xf32, #tpu.memory_space<hbm>> -> memref<32768xf32, #tpu.memory_space<hbm>>
      tpu.wait_dma2 semaphore(%run_scoped3A : memref<!tpu.dma_semaphore, #tpu.memory_space<semaphore_mem>>) src(%dma_wait3A_99 : memref<32768xf32, #tpu.memory_space<hbm>>) dst(%arg5 : memref<32768xf32, #tpu.memory_space<vmem>>)
      tpu.yield
    }) : () -> ()
    %add3A_54 = arith.constant 0 : i32
    %add3A_55 = arith.addi %add3A_54, %mul3A_53 : i32
    "tpu.region"() ({
      %run_scoped3A = tpu.sem_alloc : memref<!tpu.dma_semaphore, #tpu.memory_space<semaphore_mem>>
      %dma_start3A = tpu.memref_slice %arg2[%add3A_55] : memref<16777216xf32, #tpu.memory_space<hbm>> -> memref<32768xf32, #tpu.memory_space<hbm>>
      %dma_start3A_98 = tpu.memref_slice %arg2[%add3A_55] : memref<16777216xf32, #tpu.memory_space<hbm>> -> memref<32768xf32, #tpu.memory_space<hbm>>
      tpu.enqueue_dma source(%dma_start3A_98 : memref<32768xf32, #tpu.memory_space<hbm>>) target(%arg6 : memref<32768xf32, #tpu.memory_space<vmem>>) target_semaphore(%run_scoped3A : memref<!tpu.dma_semaphore, #tpu.memory_space<semaphore_mem>>)
      %dma_wait3A = tpu.memref_slice %arg2[%add3A_55] : memref<16777216xf32, #tpu.memory_space<hbm>> -> memref<32768xf32, #tpu.memory_space<hbm>>
      %dma_wait3A_99 = tpu.memref_slice %arg2[%add3A_55] : memref<16777216xf32, #tpu.memory_space<hbm>> -> memref<32768xf32, #tpu.memory_space<hbm>>
      tpu.wait_dma2 semaphore(%run_scoped3A : memref<!tpu.dma_semaphore, #tpu.memory_space<semaphore_mem>>) src(%dma_wait3A_99 : memref<32768xf32, #tpu.memory_space<hbm>>) dst(%arg6 : memref<32768xf32, #tpu.memory_space<vmem>>)
      tpu.yield
    }) : () -> ()
    %parallel_loop3A_56 = arith.constant 0 : i32
    %parallel_loop3A_57 = arith.constant 32768 : i32
    %parallel_loop3A_58 = arith.constant 16 : i32
    scf.for %parallel_loop3A_98 = %parallel_loop3A_56 to %parallel_loop3A_57 step %parallel_loop3A_58  : i32 {
      %parallel_loop3A_99 = arith.index_cast %parallel_loop3A_98 : i32 to index
      %parallel_loop3A_100 = tpu.vector_load %arg5[%parallel_loop3A_99] {strides = array<i32>} : memref<32768xf32, #tpu.memory_space<vmem>>, vector<16xf32>,
      %parallel_loop3A_101 = vector.shape_cast %parallel_loop3A_100 : vector<16xf32> to vector<16xf32>
      %parallel_loop3A_102 = arith.index_cast %parallel_loop3A_98 : i32 to index
      %parallel_loop3A_103 = tpu.vector_load %arg6[%parallel_loop3A_102] {strides = array<i32>} : memref<32768xf32, #tpu.memory_space<vmem>>, vector<16xf32>,
      %parallel_loop3A_104 = vector.shape_cast %parallel_loop3A_103 : vector<16xf32> to vector<16xf32>
      %parallel_loop3A_105 = vector.shape_cast %parallel_loop3A_101 : vector<16xf32> to vector<16xf32>
      tpu.vector_store %arg6[%parallel_loop3A_102], %parallel_loop3A_105 {add = true, strides = array<i32>} : memref<32768xf32, #tpu.memory_space<vmem>>, vector<16xf32>,
    } {sc.loop_unroll_factor = 8 : i64, sc.parallel_access}
    "tpu.region"() ({
      %run_scoped3A = tpu.sem_alloc : memref<!tpu.dma_semaphore, #tpu.memory_space<semaphore_mem>>
      %dma_start3A = tpu.memref_slice %arg4[%add3A_55] : memref<16777216xf32, #tpu.memory_space<hbm>> -> memref<32768xf32, #tpu.memory_space<hbm>>
      %dma_start3A_98 = tpu.memref_slice %arg4[%add3A_55] : memref<16777216xf32, #tpu.memory_space<hbm>> -> memref<32768xf32, #tpu.memory_space<hbm>>
      tpu.enqueue_dma source(%arg6 : memref<32768xf32, #tpu.memory_space<vmem>>) target(%dma_start3A_98 : memref<32768xf32, #tpu.memory_space<hbm>>) target_semaphore(%run_scoped3A : memref<!tpu.dma_semaphore, #tpu.memory_space<semaphore_mem>>)
      %dma_wait3A = tpu.memref_slice %arg4[%add3A_55] : memref<16777216xf32, #tpu.memory_space<hbm>> -> memref<32768xf32, #tpu.memory_space<hbm>>
      %dma_wait3A_99 = tpu.memref_slice %arg4[%add3A_55] : memref<16777216xf32, #tpu.memory_space<hbm>> -> memref<32768xf32, #tpu.memory_space<hbm>>
      tpu.wait_dma2 semaphore(%run_scoped3A : memref<!tpu.dma_semaphore, #tpu.memory_space<semaphore_mem>>) src(%arg6 : memref<32768xf32, #tpu.memory_space<vmem>>) dst(%dma_wait3A_99 : memref<32768xf32, #tpu.memory_space<hbm>>)
      tpu.yield
    }) : () -> ()
    %add3A_59 = arith.constant 4194304 : i32
    %add3A_60 = arith.addi %add3A_59, %mul3A_53 : i32
    "tpu.region"() ({
      %run_scoped3A = tpu.sem_alloc : memref<!tpu.dma_semaphore, #tpu.memory_space<semaphore_mem>>
      %dma_start3A = tpu.memref_slice %arg2[%add3A_60] : memref<16777216xf32, #tpu.memory_space<hbm>> -> memref<32768xf32, #tpu.memory_space<hbm>>
      %dma_start3A_98 = tpu.memref_slice %arg2[%add3A_60] : memref<16777216xf32, #tpu.memory_space<hbm>> -> memref<32768xf32, #tpu.memory_space<hbm>>
      tpu.enqueue_dma source(%dma_start3A_98 : memref<32768xf32, #tpu.memory_space<hbm>>) target(%arg6 : memref<32768xf32, #tpu.memory_space<vmem>>) target_semaphore(%run_scoped3A : memref<!tpu.dma_semaphore, #tpu.memory_space<semaphore_mem>>)
      %dma_wait3A = tpu.memref_slice %arg2[%add3A_60] : memref<16777216xf32, #tpu.memory_space<hbm>> -> memref<32768xf32, #tpu.memory_space<hbm>>
      %dma_wait3A_99 = tpu.memref_slice %arg2[%add3A_60] : memref<16777216xf32, #tpu.memory_space<hbm>> -> memref<32768xf32, #tpu.memory_space<hbm>>
      tpu.wait_dma2 semaphore(%run_scoped3A : memref<!tpu.dma_semaphore, #tpu.memory_space<semaphore_mem>>) src(%dma_wait3A_99 : memref<32768xf32, #tpu.memory_space<hbm>>) dst(%arg6 : memref<32768xf32, #tpu.memory_space<vmem>>)
      tpu.yield
    }) : () -> ()
    %parallel_loop3A_61 = arith.constant 0 : i32
    %parallel_loop3A_62 = arith.constant 32768 : i32
    %parallel_loop3A_63 = arith.constant 16 : i32
    scf.for %parallel_loop3A_98 = %parallel_loop3A_61 to %parallel_loop3A_62 step %parallel_loop3A_63  : i32 {
      %parallel_loop3A_99 = arith.index_cast %parallel_loop3A_98 : i32 to index
      %parallel_loop3A_100 = tpu.vector_load %arg5[%parallel_loop3A_99] {strides = array<i32>} : memref<32768xf32, #tpu.memory_space<vmem>>, vector<16xf32>,
      %parallel_loop3A_101 = vector.shape_cast %parallel_loop3A_100 : vector<16xf32> to vector<16xf32>
      %parallel_loop3A_102 = arith.index_cast %parallel_loop3A_98 : i32 to index
      %parallel_loop3A_103 = tpu.vector_load %arg6[%parallel_loop3A_102] {strides = array<i32>} : memref<32768xf32, #tpu.memory_space<vmem>>, vector<16xf32>,
      %parallel_loop3A_104 = vector.shape_cast %parallel_loop3A_103 : vector<16xf32> to vector<16xf32>
      %parallel_loop3A_105 = vector.shape_cast %parallel_loop3A_101 : vector<16xf32> to vector<16xf32>
      tpu.vector_store %arg6[%parallel_loop3A_102], %parallel_loop3A_105 {add = true, strides = array<i32>} : memref<32768xf32, #tpu.memory_space<vmem>>, vector<16xf32>,
    } {sc.loop_unroll_factor = 8 : i64, sc.parallel_access}
    "tpu.region"() ({
      %run_scoped3A = tpu.sem_alloc : memref<!tpu.dma_semaphore, #tpu.memory_space<semaphore_mem>>
      %dma_start3A = tpu.memref_slice %arg4[%add3A_60] : memref<16777216xf32, #tpu.memory_space<hbm>> -> memref<32768xf32, #tpu.memory_space<hbm>>
      %dma_start3A_98 = tpu.memref_slice %arg4[%add3A_60] : memref<16777216xf32, #tpu.memory_space<hbm>> -> memref<32768xf32, #tpu.memory_space<hbm>>
      tpu.enqueue_dma source(%arg6 : memref<32768xf32, #tpu.memory_space<vmem>>) target(%dma_start3A_98 : memref<32768xf32, #tpu.memory_space<hbm>>) target_semaphore(%run_scoped3A : memref<!tpu.dma_semaphore, #tpu.memory_space<semaphore_mem>>)
      %dma_wait3A = tpu.memref_slice %arg4[%add3A_60] : memref<16777216xf32, #tpu.memory_space<hbm>> -> memref<32768xf32, #tpu.memory_space<hbm>>
      %dma_wait3A_99 = tpu.memref_slice %arg4[%add3A_60] : memref<16777216xf32, #tpu.memory_space<hbm>> -> memref<32768xf32, #tpu.memory_space<hbm>>
      tpu.wait_dma2 semaphore(%run_scoped3A : memref<!tpu.dma_semaphore, #tpu.memory_space<semaphore_mem>>) src(%arg6 : memref<32768xf32, #tpu.memory_space<vmem>>) dst(%dma_wait3A_99 : memref<32768xf32, #tpu.memory_space<hbm>>)
      tpu.yield
    }) : () -> ()
    %add3A_64 = arith.constant 8388608 : i32
    %add3A_65 = arith.addi %add3A_64, %mul3A_53 : i32
    "tpu.region"() ({
      %run_scoped3A = tpu.sem_alloc : memref<!tpu.dma_semaphore, #tpu.memory_space<semaphore_mem>>
      %dma_start3A = tpu.memref_slice %arg2[%add3A_65] : memref<16777216xf32, #tpu.memory_space<hbm>> -> memref<32768xf32, #tpu.memory_space<hbm>>
      %dma_start3A_98 = tpu.memref_slice %arg2[%add3A_65] : memref<16777216xf32, #tpu.memory_space<hbm>> -> memref<32768xf32, #tpu.memory_space<hbm>>
      tpu.enqueue_dma source(%dma_start3A_98 : memref<32768xf32, #tpu.memory_space<hbm>>) target(%arg6 : memref<32768xf32, #tpu.memory_space<vmem>>) target_semaphore(%run_scoped3A : memref<!tpu.dma_semaphore, #tpu.memory_space<semaphore_mem>>)
      %dma_wait3A = tpu.memref_slice %arg2[%add3A_65] : memref<16777216xf32, #tpu.memory_space<hbm>> -> memref<32768xf32, #tpu.memory_space<hbm>>
      %dma_wait3A_99 = tpu.memref_slice %arg2[%add3A_65] : memref<16777216xf32, #tpu.memory_space<hbm>> -> memref<32768xf32, #tpu.memory_space<hbm>>
      tpu.wait_dma2 semaphore(%run_scoped3A : memref<!tpu.dma_semaphore, #tpu.memory_space<semaphore_mem>>) src(%dma_wait3A_99 : memref<32768xf32, #tpu.memory_space<hbm>>) dst(%arg6 : memref<32768xf32, #tpu.memory_space<vmem>>)
      tpu.yield
    }) : () -> ()
    %parallel_loop3A_66 = arith.constant 0 : i32
    %parallel_loop3A_67 = arith.constant 32768 : i32
    %parallel_loop3A_68 = arith.constant 16 : i32
    scf.for %parallel_loop3A_98 = %parallel_loop3A_66 to %parallel_loop3A_67 step %parallel_loop3A_68  : i32 {
      %parallel_loop3A_99 = arith.index_cast %parallel_loop3A_98 : i32 to index
      %parallel_loop3A_100 = tpu.vector_load %arg5[%parallel_loop3A_99] {strides = array<i32>} : memref<32768xf32, #tpu.memory_space<vmem>>, vector<16xf32>,
      %parallel_loop3A_101 = vector.shape_cast %parallel_loop3A_100 : vector<16xf32> to vector<16xf32>
      %parallel_loop3A_102 = arith.index_cast %parallel_loop3A_98 : i32 to index
      %parallel_loop3A_103 = tpu.vector_load %arg6[%parallel_loop3A_102] {strides = array<i32>} : memref<32768xf32, #tpu.memory_space<vmem>>, vector<16xf32>,
      %parallel_loop3A_104 = vector.shape_cast %parallel_loop3A_103 : vector<16xf32> to vector<16xf32>
      %parallel_loop3A_105 = vector.shape_cast %parallel_loop3A_101 : vector<16xf32> to vector<16xf32>
      tpu.vector_store %arg6[%parallel_loop3A_102], %parallel_loop3A_105 {add = true, strides = array<i32>} : memref<32768xf32, #tpu.memory_space<vmem>>, vector<16xf32>,
    } {sc.loop_unroll_factor = 8 : i64, sc.parallel_access}
    "tpu.region"() ({
      %run_scoped3A = tpu.sem_alloc : memref<!tpu.dma_semaphore, #tpu.memory_space<semaphore_mem>>
      %dma_start3A = tpu.memref_slice %arg4[%add3A_65] : memref<16777216xf32, #tpu.memory_space<hbm>> -> memref<32768xf32, #tpu.memory_space<hbm>>
      %dma_start3A_98 = tpu.memref_slice %arg4[%add3A_65] : memref<16777216xf32, #tpu.memory_space<hbm>> -> memref<32768xf32, #tpu.memory_space<hbm>>
      tpu.enqueue_dma source(%arg6 : memref<32768xf32, #tpu.memory_space<vmem>>) target(%dma_start3A_98 : memref<32768xf32, #tpu.memory_space<hbm>>) target_semaphore(%run_scoped3A : memref<!tpu.dma_semaphore, #tpu.memory_space<semaphore_mem>>)
      %dma_wait3A = tpu.memref_slice %arg4[%add3A_65] : memref<16777216xf32, #tpu.memory_space<hbm>> -> memref<32768xf32, #tpu.memory_space<hbm>>
      %dma_wait3A_99 = tpu.memref_slice %arg4[%add3A_65] : memref<16777216xf32, #tpu.memory_space<hbm>> -> memref<32768xf32, #tpu.memory_space<hbm>>
      tpu.wait_dma2 semaphore(%run_scoped3A : memref<!tpu.dma_semaphore, #tpu.memory_space<semaphore_mem>>) src(%arg6 : memref<32768xf32, #tpu.memory_space<vmem>>) dst(%dma_wait3A_99 : memref<32768xf32, #tpu.memory_space<hbm>>)
      tpu.yield
    }) : () -> ()
    %add3A_69 = arith.constant 12582912 : i32
    %add3A_70 = arith.addi %add3A_69, %mul3A_53 : i32
    "tpu.region"() ({
      %run_scoped3A = tpu.sem_alloc : memref<!tpu.dma_semaphore, #tpu.memory_space<semaphore_mem>>
      %dma_start3A = tpu.memref_slice %arg2[%add3A_70] : memref<16777216xf32, #tpu.memory_space<hbm>> -> memref<32768xf32, #tpu.memory_space<hbm>>
      %dma_start3A_98 = tpu.memref_slice %arg2[%add3A_70] : memref<16777216xf32, #tpu.memory_space<hbm>> -> memref<32768xf32, #tpu.memory_space<hbm>>
      tpu.enqueue_dma source(%dma_start3A_98 : memref<32768xf32, #tpu.memory_space<hbm>>) target(%arg6 : memref<32768xf32, #tpu.memory_space<vmem>>) target_semaphore(%run_scoped3A : memref<!tpu.dma_semaphore, #tpu.memory_space<semaphore_mem>>)
      %dma_wait3A = tpu.memref_slice %arg2[%add3A_70] : memref<16777216xf32, #tpu.memory_space<hbm>> -> memref<32768xf32, #tpu.memory_space<hbm>>
      %dma_wait3A_99 = tpu.memref_slice %arg2[%add3A_70] : memref<16777216xf32, #tpu.memory_space<hbm>> -> memref<32768xf32, #tpu.memory_space<hbm>>
      tpu.wait_dma2 semaphore(%run_scoped3A : memref<!tpu.dma_semaphore, #tpu.memory_space<semaphore_mem>>) src(%dma_wait3A_99 : memref<32768xf32, #tpu.memory_space<hbm>>) dst(%arg6 : memref<32768xf32, #tpu.memory_space<vmem>>)
      tpu.yield
    }) : () -> ()
    %parallel_loop3A_71 = arith.constant 0 : i32
    %parallel_loop3A_72 = arith.constant 32768 : i32
    %parallel_loop3A_73 = arith.constant 16 : i32
    scf.for %parallel_loop3A_98 = %parallel_loop3A_71 to %parallel_loop3A_72 step %parallel_loop3A_73  : i32 {
      %parallel_loop3A_99 = arith.index_cast %parallel_loop3A_98 : i32 to index
      %parallel_loop3A_100 = tpu.vector_load %arg5[%parallel_loop3A_99] {strides = array<i32>} : memref<32768xf32, #tpu.memory_space<vmem>>, vector<16xf32>,
      %parallel_loop3A_101 = vector.shape_cast %parallel_loop3A_100 : vector<16xf32> to vector<16xf32>
      %parallel_loop3A_102 = arith.index_cast %parallel_loop3A_98 : i32 to index
      %parallel_loop3A_103 = tpu.vector_load %arg6[%parallel_loop3A_102] {strides = array<i32>} : memref<32768xf32, #tpu.memory_space<vmem>>, vector<16xf32>,
      %parallel_loop3A_104 = vector.shape_cast %parallel_loop3A_103 : vector<16xf32> to vector<16xf32>
      %parallel_loop3A_105 = vector.shape_cast %parallel_loop3A_101 : vector<16xf32> to vector<16xf32>
      tpu.vector_store %arg6[%parallel_loop3A_102], %parallel_loop3A_105 {add = true, strides = array<i32>} : memref<32768xf32, #tpu.memory_space<vmem>>, vector<16xf32>,
    } {sc.loop_unroll_factor = 8 : i64, sc.parallel_access}
    "tpu.region"() ({
      %run_scoped3A = tpu.sem_alloc : memref<!tpu.dma_semaphore, #tpu.memory_space<semaphore_mem>>
      %dma_start3A = tpu.memref_slice %arg4[%add3A_70] : memref<16777216xf32, #tpu.memory_space<hbm>> -> memref<32768xf32, #tpu.memory_space<hbm>>
      %dma_start3A_98 = tpu.memref_slice %arg4[%add3A_70] : memref<16777216xf32, #tpu.memory_space<hbm>> -> memref<32768xf32, #tpu.memory_space<hbm>>
      tpu.enqueue_dma source(%arg6 : memref<32768xf32, #tpu.memory_space<vmem>>) target(%dma_start3A_98 : memref<32768xf32, #tpu.memory_space<hbm>>) target_semaphore(%run_scoped3A : memref<!tpu.dma_semaphore, #tpu.memory_space<semaphore_mem>>)
      %dma_wait3A = tpu.memref_slice %arg4[%add3A_70] : memref<16777216xf32, #tpu.memory_space<hbm>> -> memref<32768xf32, #tpu.memory_space<hbm>>
      %dma_wait3A_99 = tpu.memref_slice %arg4[%add3A_70] : memref<16777216xf32, #tpu.memory_space<hbm>> -> memref<32768xf32, #tpu.memory_space<hbm>>
      tpu.wait_dma2 semaphore(%run_scoped3A : memref<!tpu.dma_semaphore, #tpu.memory_space<semaphore_mem>>) src(%arg6 : memref<32768xf32, #tpu.memory_space<vmem>>) dst(%dma_wait3A_99 : memref<32768xf32, #tpu.memory_space<hbm>>)
      tpu.yield
    }) : () -> ()
    %add3A_74 = arith.constant 96 : i32
    %add3A_75 = arith.addi %mul3A_2, %add3A_74 : i32
    %mul3A_76 = arith.constant 1024 : i32
    %mul3A_77 = arith.muli %add3A_75, %mul3A_76 : i32
    "tpu.region"() ({
      %run_scoped3A = tpu.sem_alloc : memref<!tpu.dma_semaphore, #tpu.memory_space<semaphore_mem>>
      %dma_start3A = tpu.memref_slice %arg3[%mul3A_77] : memref<8388608xf32, #tpu.memory_space<hbm>> -> memref<32768xf32, #tpu.memory_space<hbm>>
      %dma_start3A_98 = tpu.memref_slice %arg3[%mul3A_77] : memref<8388608xf32, #tpu.memory_space<hbm>> -> memref<32768xf32, #tpu.memory_space<hbm>>
      tpu.enqueue_dma source(%dma_start3A_98 : memref<32768xf32, #tpu.memory_space<hbm>>) target(%arg5 : memref<32768xf32, #tpu.memory_space<vmem>>) target_semaphore(%run_scoped3A : memref<!tpu.dma_semaphore, #tpu.memory_space<semaphore_mem>>)
      %dma_wait3A = tpu.memref_slice %arg3[%mul3A_77] : memref<8388608xf32, #tpu.memory_space<hbm>> -> memref<32768xf32, #tpu.memory_space<hbm>>
      %dma_wait3A_99 = tpu.memref_slice %arg3[%mul3A_77] : memref<8388608xf32, #tpu.memory_space<hbm>> -> memref<32768xf32, #tpu.memory_space<hbm>>
      tpu.wait_dma2 semaphore(%run_scoped3A : memref<!tpu.dma_semaphore, #tpu.memory_space<semaphore_mem>>) src(%dma_wait3A_99 : memref<32768xf32, #tpu.memory_space<hbm>>) dst(%arg5 : memref<32768xf32, #tpu.memory_space<vmem>>)
      tpu.yield
    }) : () -> ()
    %add3A_78 = arith.constant 0 : i32
    %add3A_79 = arith.addi %add3A_78, %mul3A_77 : i32
    "tpu.region"() ({
      %run_scoped3A = tpu.sem_alloc : memref<!tpu.dma_semaphore, #tpu.memory_space<semaphore_mem>>
      %dma_start3A = tpu.memref_slice %arg2[%add3A_79] : memref<16777216xf32, #tpu.memory_space<hbm>> -> memref<32768xf32, #tpu.memory_space<hbm>>
      %dma_start3A_98 = tpu.memref_slice %arg2[%add3A_79] : memref<16777216xf32, #tpu.memory_space<hbm>> -> memref<32768xf32, #tpu.memory_space<hbm>>
      tpu.enqueue_dma source(%dma_start3A_98 : memref<32768xf32, #tpu.memory_space<hbm>>) target(%arg6 : memref<32768xf32, #tpu.memory_space<vmem>>) target_semaphore(%run_scoped3A : memref<!tpu.dma_semaphore, #tpu.memory_space<semaphore_mem>>)
      %dma_wait3A = tpu.memref_slice %arg2[%add3A_79] : memref<16777216xf32, #tpu.memory_space<hbm>> -> memref<32768xf32, #tpu.memory_space<hbm>>
      %dma_wait3A_99 = tpu.memref_slice %arg2[%add3A_79] : memref<16777216xf32, #tpu.memory_space<hbm>> -> memref<32768xf32, #tpu.memory_space<hbm>>
      tpu.wait_dma2 semaphore(%run_scoped3A : memref<!tpu.dma_semaphore, #tpu.memory_space<semaphore_mem>>) src(%dma_wait3A_99 : memref<32768xf32, #tpu.memory_space<hbm>>) dst(%arg6 : memref<32768xf32, #tpu.memory_space<vmem>>)
      tpu.yield
    }) : () -> ()
    %parallel_loop3A_80 = arith.constant 0 : i32
    %parallel_loop3A_81 = arith.constant 32768 : i32
    %parallel_loop3A_82 = arith.constant 16 : i32
    scf.for %parallel_loop3A_98 = %parallel_loop3A_80 to %parallel_loop3A_81 step %parallel_loop3A_82  : i32 {
      %parallel_loop3A_99 = arith.index_cast %parallel_loop3A_98 : i32 to index
      %parallel_loop3A_100 = tpu.vector_load %arg5[%parallel_loop3A_99] {strides = array<i32>} : memref<32768xf32, #tpu.memory_space<vmem>>, vector<16xf32>,
      %parallel_loop3A_101 = vector.shape_cast %parallel_loop3A_100 : vector<16xf32> to vector<16xf32>
      %parallel_loop3A_102 = arith.index_cast %parallel_loop3A_98 : i32 to index
      %parallel_loop3A_103 = tpu.vector_load %arg6[%parallel_loop3A_102] {strides = array<i32>} : memref<32768xf32, #tpu.memory_space<vmem>>, vector<16xf32>,
      %parallel_loop3A_104 = vector.shape_cast %parallel_loop3A_103 : vector<16xf32> to vector<16xf32>
      %parallel_loop3A_105 = vector.shape_cast %parallel_loop3A_101 : vector<16xf32> to vector<16xf32>
      tpu.vector_store %arg6[%parallel_loop3A_102], %parallel_loop3A_105 {add = true, strides = array<i32>} : memref<32768xf32, #tpu.memory_space<vmem>>, vector<16xf32>,
    } {sc.loop_unroll_factor = 8 : i64, sc.parallel_access}
    "tpu.region"() ({
      %run_scoped3A = tpu.sem_alloc : memref<!tpu.dma_semaphore, #tpu.memory_space<semaphore_mem>>
      %dma_start3A = tpu.memref_slice %arg4[%add3A_79] : memref<16777216xf32, #tpu.memory_space<hbm>> -> memref<32768xf32, #tpu.memory_space<hbm>>
      %dma_start3A_98 = tpu.memref_slice %arg4[%add3A_79] : memref<16777216xf32, #tpu.memory_space<hbm>> -> memref<32768xf32, #tpu.memory_space<hbm>>
      tpu.enqueue_dma source(%arg6 : memref<32768xf32, #tpu.memory_space<vmem>>) target(%dma_start3A_98 : memref<32768xf32, #tpu.memory_space<hbm>>) target_semaphore(%run_scoped3A : memref<!tpu.dma_semaphore, #tpu.memory_space<semaphore_mem>>)
      %dma_wait3A = tpu.memref_slice %arg4[%add3A_79] : memref<16777216xf32, #tpu.memory_space<hbm>> -> memref<32768xf32, #tpu.memory_space<hbm>>
      %dma_wait3A_99 = tpu.memref_slice %arg4[%add3A_79] : memref<16777216xf32, #tpu.memory_space<hbm>> -> memref<32768xf32, #tpu.memory_space<hbm>>
      tpu.wait_dma2 semaphore(%run_scoped3A : memref<!tpu.dma_semaphore, #tpu.memory_space<semaphore_mem>>) src(%arg6 : memref<32768xf32, #tpu.memory_space<vmem>>) dst(%dma_wait3A_99 : memref<32768xf32, #tpu.memory_space<hbm>>)
      tpu.yield
    }) : () -> ()
    %add3A_83 = arith.constant 4194304 : i32
    %add3A_84 = arith.addi %add3A_83, %mul3A_77 : i32
    "tpu.region"() ({
      %run_scoped3A = tpu.sem_alloc : memref<!tpu.dma_semaphore, #tpu.memory_space<semaphore_mem>>
      %dma_start3A = tpu.memref_slice %arg2[%add3A_84] : memref<16777216xf32, #tpu.memory_space<hbm>> -> memref<32768xf32, #tpu.memory_space<hbm>>
      %dma_start3A_98 = tpu.memref_slice %arg2[%add3A_84] : memref<16777216xf32, #tpu.memory_space<hbm>> -> memref<32768xf32, #tpu.memory_space<hbm>>
      tpu.enqueue_dma source(%dma_start3A_98 : memref<32768xf32, #tpu.memory_space<hbm>>) target(%arg6 : memref<32768xf32, #tpu.memory_space<vmem>>) target_semaphore(%run_scoped3A : memref<!tpu.dma_semaphore, #tpu.memory_space<semaphore_mem>>)
      %dma_wait3A = tpu.memref_slice %arg2[%add3A_84] : memref<16777216xf32, #tpu.memory_space<hbm>> -> memref<32768xf32, #tpu.memory_space<hbm>>
      %dma_wait3A_99 = tpu.memref_slice %arg2[%add3A_84] : memref<16777216xf32, #tpu.memory_space<hbm>> -> memref<32768xf32, #tpu.memory_space<hbm>>
      tpu.wait_dma2 semaphore(%run_scoped3A : memref<!tpu.dma_semaphore, #tpu.memory_space<semaphore_mem>>) src(%dma_wait3A_99 : memref<32768xf32, #tpu.memory_space<hbm>>) dst(%arg6 : memref<32768xf32, #tpu.memory_space<vmem>>)
      tpu.yield
    }) : () -> ()
    %parallel_loop3A_85 = arith.constant 0 : i32
    %parallel_loop3A_86 = arith.constant 32768 : i32
    %parallel_loop3A_87 = arith.constant 16 : i32
    scf.for %parallel_loop3A_98 = %parallel_loop3A_85 to %parallel_loop3A_86 step %parallel_loop3A_87  : i32 {
      %parallel_loop3A_99 = arith.index_cast %parallel_loop3A_98 : i32 to index
      %parallel_loop3A_100 = tpu.vector_load %arg5[%parallel_loop3A_99] {strides = array<i32>} : memref<32768xf32, #tpu.memory_space<vmem>>, vector<16xf32>,
      %parallel_loop3A_101 = vector.shape_cast %parallel_loop3A_100 : vector<16xf32> to vector<16xf32>
      %parallel_loop3A_102 = arith.index_cast %parallel_loop3A_98 : i32 to index
      %parallel_loop3A_103 = tpu.vector_load %arg6[%parallel_loop3A_102] {strides = array<i32>} : memref<32768xf32, #tpu.memory_space<vmem>>, vector<16xf32>,
      %parallel_loop3A_104 = vector.shape_cast %parallel_loop3A_103 : vector<16xf32> to vector<16xf32>
      %parallel_loop3A_105 = vector.shape_cast %parallel_loop3A_101 : vector<16xf32> to vector<16xf32>
      tpu.vector_store %arg6[%parallel_loop3A_102], %parallel_loop3A_105 {add = true, strides = array<i32>} : memref<32768xf32, #tpu.memory_space<vmem>>, vector<16xf32>,
    } {sc.loop_unroll_factor = 8 : i64, sc.parallel_access}
    "tpu.region"() ({
      %run_scoped3A = tpu.sem_alloc : memref<!tpu.dma_semaphore, #tpu.memory_space<semaphore_mem>>
      %dma_start3A = tpu.memref_slice %arg4[%add3A_84] : memref<16777216xf32, #tpu.memory_space<hbm>> -> memref<32768xf32, #tpu.memory_space<hbm>>
      %dma_start3A_98 = tpu.memref_slice %arg4[%add3A_84] : memref<16777216xf32, #tpu.memory_space<hbm>> -> memref<32768xf32, #tpu.memory_space<hbm>>
      tpu.enqueue_dma source(%arg6 : memref<32768xf32, #tpu.memory_space<vmem>>) target(%dma_start3A_98 : memref<32768xf32, #tpu.memory_space<hbm>>) target_semaphore(%run_scoped3A : memref<!tpu.dma_semaphore, #tpu.memory_space<semaphore_mem>>)
      %dma_wait3A = tpu.memref_slice %arg4[%add3A_84] : memref<16777216xf32, #tpu.memory_space<hbm>> -> memref<32768xf32, #tpu.memory_space<hbm>>
      %dma_wait3A_99 = tpu.memref_slice %arg4[%add3A_84] : memref<16777216xf32, #tpu.memory_space<hbm>> -> memref<32768xf32, #tpu.memory_space<hbm>>
      tpu.wait_dma2 semaphore(%run_scoped3A : memref<!tpu.dma_semaphore, #tpu.memory_space<semaphore_mem>>) src(%arg6 : memref<32768xf32, #tpu.memory_space<vmem>>) dst(%dma_wait3A_99 : memref<32768xf32, #tpu.memory_space<hbm>>)
      tpu.yield
    }) : () -> ()
    %add3A_88 = arith.constant 8388608 : i32
    %add3A_89 = arith.addi %add3A_88, %mul3A_77 : i32
    "tpu.region"() ({
      %run_scoped3A = tpu.sem_alloc : memref<!tpu.dma_semaphore, #tpu.memory_space<semaphore_mem>>
      %dma_start3A = tpu.memref_slice %arg2[%add3A_89] : memref<16777216xf32, #tpu.memory_space<hbm>> -> memref<32768xf32, #tpu.memory_space<hbm>>
      %dma_start3A_98 = tpu.memref_slice %arg2[%add3A_89] : memref<16777216xf32, #tpu.memory_space<hbm>> -> memref<32768xf32, #tpu.memory_space<hbm>>
      tpu.enqueue_dma source(%dma_start3A_98 : memref<32768xf32, #tpu.memory_space<hbm>>) target(%arg6 : memref<32768xf32, #tpu.memory_space<vmem>>) target_semaphore(%run_scoped3A : memref<!tpu.dma_semaphore, #tpu.memory_space<semaphore_mem>>)
      %dma_wait3A = tpu.memref_slice %arg2[%add3A_89] : memref<16777216xf32, #tpu.memory_space<hbm>> -> memref<32768xf32, #tpu.memory_space<hbm>>
      %dma_wait3A_99 = tpu.memref_slice %arg2[%add3A_89] : memref<16777216xf32, #tpu.memory_space<hbm>> -> memref<32768xf32, #tpu.memory_space<hbm>>
      tpu.wait_dma2 semaphore(%run_scoped3A : memref<!tpu.dma_semaphore, #tpu.memory_space<semaphore_mem>>) src(%dma_wait3A_99 : memref<32768xf32, #tpu.memory_space<hbm>>) dst(%arg6 : memref<32768xf32, #tpu.memory_space<vmem>>)
      tpu.yield
    }) : () -> ()
    %parallel_loop3A_90 = arith.constant 0 : i32
    %parallel_loop3A_91 = arith.constant 32768 : i32
    %parallel_loop3A_92 = arith.constant 16 : i32
    scf.for %parallel_loop3A_98 = %parallel_loop3A_90 to %parallel_loop3A_91 step %parallel_loop3A_92  : i32 {
      %parallel_loop3A_99 = arith.index_cast %parallel_loop3A_98 : i32 to index
      %parallel_loop3A_100 = tpu.vector_load %arg5[%parallel_loop3A_99] {strides = array<i32>} : memref<32768xf32, #tpu.memory_space<vmem>>, vector<16xf32>,
      %parallel_loop3A_101 = vector.shape_cast %parallel_loop3A_100 : vector<16xf32> to vector<16xf32>
      %parallel_loop3A_102 = arith.index_cast %parallel_loop3A_98 : i32 to index
      %parallel_loop3A_103 = tpu.vector_load %arg6[%parallel_loop3A_102] {strides = array<i32>} : memref<32768xf32, #tpu.memory_space<vmem>>, vector<16xf32>,
      %parallel_loop3A_104 = vector.shape_cast %parallel_loop3A_103 : vector<16xf32> to vector<16xf32>
      %parallel_loop3A_105 = vector.shape_cast %parallel_loop3A_101 : vector<16xf32> to vector<16xf32>
      tpu.vector_store %arg6[%parallel_loop3A_102], %parallel_loop3A_105 {add = true, strides = array<i32>} : memref<32768xf32, #tpu.memory_space<vmem>>, vector<16xf32>,
    } {sc.loop_unroll_factor = 8 : i64, sc.parallel_access}
    "tpu.region"() ({
      %run_scoped3A = tpu.sem_alloc : memref<!tpu.dma_semaphore, #tpu.memory_space<semaphore_mem>>
      %dma_start3A = tpu.memref_slice %arg4[%add3A_89] : memref<16777216xf32, #tpu.memory_space<hbm>> -> memref<32768xf32, #tpu.memory_space<hbm>>
      %dma_start3A_98 = tpu.memref_slice %arg4[%add3A_89] : memref<16777216xf32, #tpu.memory_space<hbm>> -> memref<32768xf32, #tpu.memory_space<hbm>>
      tpu.enqueue_dma source(%arg6 : memref<32768xf32, #tpu.memory_space<vmem>>) target(%dma_start3A_98 : memref<32768xf32, #tpu.memory_space<hbm>>) target_semaphore(%run_scoped3A : memref<!tpu.dma_semaphore, #tpu.memory_space<semaphore_mem>>)
      %dma_wait3A = tpu.memref_slice %arg4[%add3A_89] : memref<16777216xf32, #tpu.memory_space<hbm>> -> memref<32768xf32, #tpu.memory_space<hbm>>
      %dma_wait3A_99 = tpu.memref_slice %arg4[%add3A_89] : memref<16777216xf32, #tpu.memory_space<hbm>> -> memref<32768xf32, #tpu.memory_space<hbm>>
      tpu.wait_dma2 semaphore(%run_scoped3A : memref<!tpu.dma_semaphore, #tpu.memory_space<semaphore_mem>>) src(%arg6 : memref<32768xf32, #tpu.memory_space<vmem>>) dst(%dma_wait3A_99 : memref<32768xf32, #tpu.memory_space<hbm>>)
      tpu.yield
    }) : () -> ()
    %add3A_93 = arith.constant 12582912 : i32
    %add3A_94 = arith.addi %add3A_93, %mul3A_77 : i32
    "tpu.region"() ({
      %run_scoped3A = tpu.sem_alloc : memref<!tpu.dma_semaphore, #tpu.memory_space<semaphore_mem>>
      %dma_start3A = tpu.memref_slice %arg2[%add3A_94] : memref<16777216xf32, #tpu.memory_space<hbm>> -> memref<32768xf32, #tpu.memory_space<hbm>>
      %dma_start3A_98 = tpu.memref_slice %arg2[%add3A_94] : memref<16777216xf32, #tpu.memory_space<hbm>> -> memref<32768xf32, #tpu.memory_space<hbm>>
      tpu.enqueue_dma source(%dma_start3A_98 : memref<32768xf32, #tpu.memory_space<hbm>>) target(%arg6 : memref<32768xf32, #tpu.memory_space<vmem>>) target_semaphore(%run_scoped3A : memref<!tpu.dma_semaphore, #tpu.memory_space<semaphore_mem>>)
      %dma_wait3A = tpu.memref_slice %arg2[%add3A_94] : memref<16777216xf32, #tpu.memory_space<hbm>> -> memref<32768xf32, #tpu.memory_space<hbm>>
      %dma_wait3A_99 = tpu.memref_slice %arg2[%add3A_94] : memref<16777216xf32, #tpu.memory_space<hbm>> -> memref<32768xf32, #tpu.memory_space<hbm>>
      tpu.wait_dma2 semaphore(%run_scoped3A : memref<!tpu.dma_semaphore, #tpu.memory_space<semaphore_mem>>) src(%dma_wait3A_99 : memref<32768xf32, #tpu.memory_space<hbm>>) dst(%arg6 : memref<32768xf32, #tpu.memory_space<vmem>>)
      tpu.yield
    }) : () -> ()
    %parallel_loop3A_95 = arith.constant 0 : i32
    %parallel_loop3A_96 = arith.constant 32768 : i32
    %parallel_loop3A_97 = arith.constant 16 : i32
    scf.for %parallel_loop3A_98 = %parallel_loop3A_95 to %parallel_loop3A_96 step %parallel_loop3A_97  : i32 {
      %parallel_loop3A_99 = arith.index_cast %parallel_loop3A_98 : i32 to index
      %parallel_loop3A_100 = tpu.vector_load %arg5[%parallel_loop3A_99] {strides = array<i32>} : memref<32768xf32, #tpu.memory_space<vmem>>, vector<16xf32>,
      %parallel_loop3A_101 = vector.shape_cast %parallel_loop3A_100 : vector<16xf32> to vector<16xf32>
      %parallel_loop3A_102 = arith.index_cast %parallel_loop3A_98 : i32 to index
      %parallel_loop3A_103 = tpu.vector_load %arg6[%parallel_loop3A_102] {strides = array<i32>} : memref<32768xf32, #tpu.memory_space<vmem>>, vector<16xf32>,
      %parallel_loop3A_104 = vector.shape_cast %parallel_loop3A_103 : vector<16xf32> to vector<16xf32>
      %parallel_loop3A_105 = vector.shape_cast %parallel_loop3A_101 : vector<16xf32> to vector<16xf32>
      tpu.vector_store %arg6[%parallel_loop3A_102], %parallel_loop3A_105 {add = true, strides = array<i32>} : memref<32768xf32, #tpu.memory_space<vmem>>, vector<16xf32>,
    } {sc.loop_unroll_factor = 8 : i64, sc.parallel_access}
    "tpu.region"() ({
      %run_scoped3A = tpu.sem_alloc : memref<!tpu.dma_semaphore, #tpu.memory_space<semaphore_mem>>
      %dma_start3A = tpu.memref_slice %arg4[%add3A_94] : memref<16777216xf32, #tpu.memory_space<hbm>> -> memref<32768xf32, #tpu.memory_space<hbm>>
      %dma_start3A_98 = tpu.memref_slice %arg4[%add3A_94] : memref<16777216xf32, #tpu.memory_space<hbm>> -> memref<32768xf32, #tpu.memory_space<hbm>>
      tpu.enqueue_dma source(%arg6 : memref<32768xf32, #tpu.memory_space<vmem>>) target(%dma_start3A_98 : memref<32768xf32, #tpu.memory_space<hbm>>) target_semaphore(%run_scoped3A : memref<!tpu.dma_semaphore, #tpu.memory_space<semaphore_mem>>)
      %dma_wait3A = tpu.memref_slice %arg4[%add3A_94] : memref<16777216xf32, #tpu.memory_space<hbm>> -> memref<32768xf32, #tpu.memory_space<hbm>>
      %dma_wait3A_99 = tpu.memref_slice %arg4[%add3A_94] : memref<16777216xf32, #tpu.memory_space<hbm>> -> memref<32768xf32, #tpu.memory_space<hbm>>
      tpu.wait_dma2 semaphore(%run_scoped3A : memref<!tpu.dma_semaphore, #tpu.memory_space<semaphore_mem>>) src(%arg6 : memref<32768xf32, #tpu.memory_space<vmem>>) dst(%dma_wait3A_99 : memref<32768xf32, #tpu.memory_space<hbm>>)
      tpu.yield
    }) : () -> ()
    return
  }
}

</mosaic_0001>

<sc_bundles>
// kernel: kernel.3.cloned.1.call-start
scs
__scs_entry_jumppad:
0x0: {  	(pc) =	sbr.rel $0x88, $3  }
0x1: {  	(tag) =	ssettag $0x0;
	lr =	simm.s32 $0x1  }
0x2: {  	[smem:$0x3F9F] =	sst lr;
	_ =	strace $0xD0000000  }
0x3: {  	_ = 	snop  }
0x4: {  	_ = 	snop  }
0x5: {  	_ = 	snop  }
0x6: {  	_ = 	snop  }
0x7: {  	_ = 	snop  }
__scs_overlays_trampoline_lowered:
0x8: {  	[smem:$0x3FAE] =	sst s0  }
0x9: {  	[smem:$0x3FAF] =	sst s1  }
0xa: {  	[smem:$0x3FB0] =	sst s2  }
0xb: {  	[smem:$0x3FB1] =	sst s3  }
0xc: {  	[smem:$0x3FB2] =	sst s4  }
0xd: {  	[smem:$0x3FB3] =	sst s5  }
0xe: {  	[smem:$0x3FB4] =	sst s6  }
0xf: {  	[smem:$0x3FB5] =	sst s7  }
0x10: {  	[smem:$0x3FB6] =	sst s8  }
0x11: {  	[smem:$0x3FB7] =	sst s9;
	s0 =	simm.s32 @!p0 $0x0  }
0x12: {  	s1 =	sld [smem:$0x3F9D];
	s0 =	simm.s32 @p0 $0x1  }
0x13: {  	[smem:$0x3FB8] =	sst s0;
	s0 =	simm.s32 @!p1 $0x0  }
0x14: {  	s2 =	sld [smem:$0x3F9C];
	s0 =	simm.s32 @p1 $0x1  }
0x15: {  	[smem:$0x3FB9] =	sst s0;
	s0 =	simm.s32 @!p2 $0x0  }
0x16: {  	s3 =	sld [smem:$0x3FDB];
	s0 =	simm.s32 @p2 $0x1  }
0x17: {  	s4 =	simm.s32 $0x1BF5;
	[smem:$0x3FBB] =	sst s0  }
0x18: {  	s0 =	sld [smem:$0x3F9E];
	_ =	swait.ge [sflag:s4], $0x0  }
0x19: {  	s7 =	sld [smem:$0x3F9F]  }
0x1a: {  	s8 =	sadd.s32 $0xFFFFE003, lr  }
0x1b: {  	s9 =	sadd.s32 $0xFFFFFEF7, lr;
	s5 =	simm.s32 $0xFFFFFFFF;
	p2 =	slt.u32 s8, $0xFFFFF086  }
0x1c: {  	p1 =	slt.u32 s9, $0xF7A;
	s5 =	simm.s32 @!p2 $0x0  }
0x1d: {  	s5 =	simm.s32 @p1 $0x1;
	p0 =	seq.s32 s7, s2  }
0x1e: {  	s7 =	smul.u32 @!p0 $0xF7A, s2;
	p2 =	seq.s32 @!p0 s5, $0x0  }
0x1f: {  	s9 =	smul.u32 $0xF7A, s1;
	s8 =	simm.s32 @!p0 $0x1BF5;
	p2 =	por !p2, p0  }
0x20: {  	[sflag:s8] =	ssyncset.s32 @!p0 $0xFFFFF086;
	s6 =	sadd.s32 @!p0 s3, s7;
	s7 =	simm.s32 @!p0 $0x108  }
0x21: {  	s3 =	sadd.s32 s3, s9;
	s6 =	sadd.s32 @!p0 $0x88, s6;
	s7 =	simm.s32 @p2 $0x1082  }
0x22: {  	[simem:s7], [sflag:s8] =	dma.local @!p0 [hbm:s6], $0xF7A  }
0x23: {  	s9 =	sor.u32 $0xD0000000, s2;
	s6 =	simm.s32 $0x108;
	_ =	swait.ge @!p0 [sflag:s8], $0x0  }
0x24: {  	s3 =	sadd.s32 $0x88, s3;
	s6 =	simm.s32 @!p1 $0x1082;
	[sflag:s4] =	ssyncset.s32 $0xFFFFF086  }
0x25: {  	[simem:s6], [sflag:s4] =	dma.local [hbm:s3], $0xF7A  }
0x26: {  	[smem:$0x3F9F] =	sst s1;
	(tag) =	ssettag s2;
	_ =	strace s9  }
0x27: {  	s1 =	sld [smem:$0x3FAF]  }
0x28: {  	s2 =	sld [smem:$0x3FB0]  }
0x29: {  	s4 =	sld [smem:$0x3FB2]  }
0x2a: {  	p0 =	seq.s32 s5, $0x0;
	s5 =	sld [smem:$0x3FB3]  }
0x2b: {  	s6 =	sld [smem:$0x3FB4]  }
0x2c: {  	s7 =	sld [smem:$0x3FB5]  }
0x2d: {  	s3 =	simm.s32 $0x108;
	s8 =	sld [smem:$0x3FB6]  }
0x2e: {  	s3 =	simm.s32 @!p0 $0x1082;
	s9 =	sld [smem:$0x3FB7]  }
0x2f: {  	lr =	sadd.s32 s0, s3;
	s0 =	sld [smem:$0x3FAE]  }
0x30: {  	s3 =	sld [smem:$0x3FB1]  }
0x31: {  	[smem:$0x3FBA] =	sst s10  }
0x32: {  	s10 =	sld [smem:$0x3FB8];
	_ =	sdelay $0x3  }
0x33: {  	p0 =	seq.s32 s10, $0x1;
	s10 =	sld [smem:$0x3FBA];
	_ =	sdelay $0x3  }
0x34: {  	[smem:$0x3FBA] =	sst s10  }
0x35: {  	s10 =	sld [smem:$0x3FB9];
	_ =	sdelay $0x3  }
0x36: {  	p1 =	seq.s32 s10, $0x1;
	s10 =	sld [smem:$0x3FBA];
	_ =	sdelay $0x3  }
0x37: {  	[smem:$0x3FBA] =	sst s10  }
0x38: {  	s10 =	sld [smem:$0x3FBB]  }
0x39: {  	_ = 	snop;
	(pc) =	sbr.ind lr, $3  }
0x3a: {  	_ = 	snop  }
0x3b: {  	_ = 	snop  }
0x3c: {  	p2 =	seq.s32 s10, $0x1;
	s10 =	sld [smem:$0x3FBA]  }
0x3d: {  	_ =	shalt  }
0x3e: {  	_ =	shalt  }
0x3f: {  	_ =	shalt  }
0x40: {  	_ =	shalt  }
0x41: {  	_ =	shalt  }
0x42: {  	_ =	shalt  }
0x43: {  	_ =	shalt  }
0x44: {  	_ =	shalt  }
0x45: {  	_ =	shalt  }
0x46: {  	_ =	shalt  }
0x47: {  	_ =	shalt  }
0x48: {  	_ =	shalt  }
0x49: {  	_ =	shalt  }
0x4a: {  	_ =	shalt  }
0x4b: {  	_ =	shalt  }
0x4c: {  	_ =	shalt  }
0x4d: {  	_ =	shalt  }
0x4e: {  	_ =	shalt  }
0x4f: {  	_ =	shalt  }
0x50: {  	_ =	shalt  }
0x51: {  	_ =	shalt  }
0x52: {  	_ =	shalt  }
0x53: {  	_ =	shalt  }
0x54: {  	_ =	shalt  }
0x55: {  	_ =	shalt  }
0x56: {  	_ =	shalt  }
0x57: {  	_ =	shalt  }
0x58: {  	_ =	shalt  }
0x59: {  	_ =	shalt  }
0x5a: {  	_ =	shalt  }
0x5b: {  	_ =	shalt  }
0x5c: {  	_ =	shalt  }
0x5d: {  	_ =	shalt  }
0x5e: {  	_ =	shalt  }
0x5f: {  	_ =	shalt  }
0x60: {  	_ =	shalt  }
0x61: {  	_ =	shalt  }
0x62: {  	_ =	shalt  }
0x63: {  	_ =	shalt  }
0x64: {  	_ =	shalt  }
0x65: {  	_ =	shalt  }
0x66: {  	_ =	shalt  }
0x67: {  	_ =	shalt  }
0x68: {  	_ =	shalt  }
0x69: {  	_ =	shalt  }
0x6a: {  	_ =	shalt  }
0x6b: {  	_ =	shalt  }
0x6c: {  	_ =	shalt  }
0x6d: {  	_ =	shalt  }
0x6e: {  	_ =	shalt  }
0x6f: {  	_ =	shalt  }
0x70: {  	_ =	shalt  }
0x71: {  	_ =	shalt  }
0x72: {  	_ =	shalt  }
0x73: {  	_ =	shalt  }
0x74: {  	_ =	shalt  }
0x75: {  	_ =	shalt  }
0x76: {  	_ =	shalt  }
0x77: {  	_ =	shalt  }
0x78: {  	_ =	shalt  }
0x79: {  	_ =	shalt  }
0x7a: {  	_ =	shalt  }
0x7b: {  	_ =	shalt  }
0x7c: {  	_ =	shalt  }
0x7d: {  	_ =	shalt  }
0x7e: {  	_ =	shalt  }
0x7f: {  	_ =	shalt  }
0x80: {  	_ =	shalt  }
0x81: {  	_ =	shalt  }
0x82: {  	_ =	shalt  }
0x83: {  	_ =	shalt  }
0x84: {  	_ =	shalt  }
0x85: {  	_ =	shalt  }
0x86: {  	_ =	shalt  }
0x87: {  	_ =	shalt  }
.Lfunc_end0:
.L_simem_size_0:
called_computation.2_lowered:
.L_overlay_start_0:
0x88: {  	s2 =	sld [smem:$0x3FD9]  }
0x89: {  	s3 =	sld [smem:$0x3FFE];
	_ =	sdelay $0x1  }
0x8a: {  	s1 =	srdreg.scid  }
0x8b: {  	s0 =	sand.u32 $0x1, s1  }
0x8c: {  	s17 =	sshll.u32 s0, $0xA;
	s2 =	sadd.s32 s3, s2  }
0x8d: {  	s2 =	sadd.s32 s2, s17  }
0x8e: {  	[smem:$0x3FC6] =	sst s2  }
0x8f: {  	_ = 	snop  }
0x90: {  	s2 =	sld [smem:$0x3FD0];
	(tm) =	ssettm $0x1  }
0x91: {  	s18 =	sld [smem:$0x3FFB];
	_ =	sdelay $0x3  }
0x92: {  	_ =	strace s18  }
0x93: {  	s3 =	sld [smem:$0x3FFC];
	_ =	sdelay $0x3  }
0x94: {  	_ =	strace s3  }
0x95: {  	s3 =	sld [smem:$0x3FFD];
	_ =	sdelay $0x3  }
0x96: {  	_ =	strace s3  }
0x97: {  	_ =	strace $0x8FFFFFFF  }
0x98: {  	s19 =	sld [smem:$0x3FDB];
	_ =	sdelay $0x1  }
0x99: {  	s4 =	simm.s32 $_scs_section_size  }
0x9a: {  	s5 =	simm.s32 $_size__tile_overlayer_lowered;
	s6 =	simm.s32 $_tile_overlayer_lowered  }
0x9b: {  	s22 =	simm.s32 $0x1BFF;
	s21 =	sshll.u32 s6, $0x1;
	s3 =	sadd.s32 s4, s19  }
0x9c: {  	s7 =	simm.s32 $0x0;
	s20 =	sshll.u32 s5, $0x1;
	s5 =	sadd.s32 s21, s3  }
0x9d: {  	[timem:s7], [sflag:s22] =	dma.local [hbm:s5], s20  }
0x9e: {  	_ =	swait.ge [sflag:s22], s20  }
0x9f: {  	s4 =	ssub.s32 $0x0, s20;
	[sflag:s22] =	ssyncset.done $0x0  }
0xa0: {  	[sflag:s22] =	ssyncadd.s32 s4;
	_ =	sdelay $0x1  }
0xa1: {  	s23 =	simm.s32 $0x1B8B  }
0xa2: {  	_ =	swait.ge [sflag:s23], $0x1  }
0xa3: {  	[sflag:s23] =	ssyncset.done $0x0  }
0xa4: {  	s25 =	simm.s32 $0x1B8E;
	s24 =	sld [smem:$0x3FFE];
	[sflag:s23] =	ssyncadd.s32 $0xFFFFFFFF  }
0xa5: {  	s26 =	simm.s32 $execute0_lowered;
	[smem:$0x3FD2] =	sst s25  }
0xa6: {  	s5 =	sshll.u32 s26, $0x1;
	_ =	strace $0x8000004C;
	[dreg:$0x1] =	wrdreg $0xFFFFFFFF  }
0xa7: {  	s28 =	simm.s32 $_size_execute0_lowered;
	s3 =	sadd.s32 s3, s5;
	[dreg:$0x0] =	wrdreg $0x0  }
0xa8: {  	s5 =	sshll.u32 s28, $0x1;
	[dreg:$0x2] =	wrdreg s3  }
0xa9: {  	[dreg:$0x3] =	wrdreg s5  }
0xaa: {  	[dreg:$0x4] =	wrdreg $0xC0  }
0xab: {  	_ =	task [dreg:s7], $0x5FFFF  }
0xac: {  	[dreg:$0x1] =	wrdreg $0xFFFFFFFF  }
0xad: {  	[dreg:$0x0] =	wrdreg $0x60  }
0xae: {  	[dreg:$0x2] =	wrdreg s2  }
0xaf: {  	[dreg:$0x3] =	wrdreg s24  }
0xb0: {  	[dreg:$0x4] =	wrdreg $0x9  }
0xb1: {  	_ =	task.clear_ibuf [dreg:s7], $0x5FFFF;
	_ =	strace $0x9000004C  }
0xb2: {  	s29 =	simm.s32 $0x9;
	_ =	strace $0x8000004E  }
0xb3: {  	_ =	swait.ge [sflag:s29], $0x1  }
0xb4: {  	[sflag:s29] =	ssyncadd.s32 $0xFFFFFFFF  }
0xb5: {  	_ =	strace $0x9000004E  }
0xb6: {  	_ =	sfence  }
0xb7: {  	s30 =	sld [smem:$0x0];
	_ =	sdelay $0x2  }
0xb8: {  	s31 =	sshll.u32 s1, $0xD;
	s1 =	sshrl.u32 s1, $0x2  }
0xb9: {  	s3 =	sand.u32 $0x4000, s31;
	s1 =	sadd.s32 s1, s30  }
0xba: {  	s0 =	sor.u32 s3, s0;
	s1 =	sshll.u32 s1, $0x11  }
0xbb: {  	s0 =	sor.u32 s1, s0  }
0xbc: {  	s0 =	sadd.s32 $0x8F2B, s0  }
0xbd: {  	[sflag:s0] =	ssyncadd.remote.s32 $0x1  }
0xbe: {  	_ =	sfence.sel $0xFFFF  }
0xbf: {  	[dreg:$0x0] =	wrdreg $0xFFFFFFFF;
	(pc) =	sbr.abs _section_cstart, $3  }
0xc0: {  	[dreg:$0x1] =	wrdreg $0xFFFFFFFF  }
0xc1: {  	_ =	task.clear_ibuf [dreg:s7], $0x2FFFF;
	_ =	strace $0x9FFFFFFF  }
0xc2: {  	(tm) =	ssettm $0x7FFFFFFF  }
0xc3: {  	_ =	shalt  }
tec
execute0_lowered:
.L_overlay_start_1:
0x0: {  	(tag) =	ssettag $0x1  }
0x1: {  	s6 =	rddreg [dreg:$0x0]  }
0x2: {  	s0 =	rddreg [dreg:$0x1];
	s2 =	srdreg.scid  }
0x3: {  	s1 =	simm.s32 $0x0;
	s3 =	stileid.u32;
	s2 =	sand.u32 $0x1, s2  }
0x4: {  	[smem:$0x7FF] =	sst s1;
	s3 =	sshll.u32 s3, $0xF;
	s4 =	sshll.u32 s2, $0xE  }
0x5: {  	s5 =	sadd.s32 $0xC00, s0;
	s2 =	ssub.s32 $0x2, s2;
	s4 =	sor.u32 s4, s3  }
0x6: {  	s7 =	sadd.s32 $0x100C00, s0;
	s12 =	sshrl.u32 s2, $0x1;
	s3 =	sor.u32 $0x80000, s4  }
0x7: {  	s8 =	ssub.s32 s2, s12;
	s14 =	sor.u32 $0x100000, s4;
	s17 =	sor.u32 $0x180000, s4  }
0x8: {  	s19 =	sor.u32 $0x1000, s4;
	s22 =	sor.u32 $0x81000, s4;
	s23 =	sor.u32 $0x101000, s4  }
0x9: {  	s9 =	sor.u32 $0x82000, s4;
	s10 =	sor.u32 $0x102000, s4;
	s13 =	sadd.s32 s6, s3  }
0xa: {  	s11 =	sor.u32 $0x182000, s4;
	s15 =	sadd.s32 s7, s3;
	[dreg:$0x3] =	wrdreg s13  }
0xb: {  	s12 =	sor.u32 $0x3000, s4;
	s16 =	sadd.s32 s6, s14;
	[dreg:$0x4] =	wrdreg s15  }
0xc: {  	s0 =	sadd.s32 s7, s14;
	s18 =	sadd.s32 s6, s17;
	[dreg:$0x5] =	wrdreg s16  }
0xd: {  	s2 =	sadd.s32 s7, s17;
	s20 =	sadd.s32 s5, s19;
	[dreg:$0x6] =	wrdreg s0  }
0xe: {  	s21 =	sadd.s32 s6, s19;
	s24 =	sadd.s32 s6, s22;
	[dreg:$0x7] =	wrdreg s18  }
0xf: {  	s25 =	sadd.s32 s6, s23;
	s26 =	sadd.s32 s7, s23;
	[dreg:$0x8] =	wrdreg s2  }
0x10: {  	s3 =	sor.u32 $0x2000, s4;
	s23 =	sadd.s32 s7, s10;
	[dreg:$0x9] =	wrdreg s20  }
0x11: {  	s28 =	sadd.s32 s5, s12;
	s29 =	sadd.s32 s6, s12;
	[dreg:$0xa] =	wrdreg s21  }
0x12: {  	s30 =	sadd.s32 s7, s12;
	s14 =	sor.u32 $0x103000, s4;
	[dreg:$0xc] =	wrdreg s24  }
0x13: {  	s8 =	smax.u32 s8, $0x1;
	s0 =	sadd.s32 s7, s19;
	[dreg:$0xe] =	wrdreg s25  }
0x14: {  	[dreg:$0xf] =	wrdreg s26;
	s2 =	sor.u32 $0x181000, s4;
	s17 =	sadd.s32 s5, s3  }
0x15: {  	s18 =	sadd.s32 s6, s3;
	s19 =	sadd.s32 s7, s3;
	s20 =	sadd.s32 s6, s9  }
0x16: {  	s21 =	sadd.s32 s7, s9;
	s24 =	sadd.s32 s6, s11;
	s25 =	sadd.s32 s7, s11  }
0x17: {  	s26 =	sadd.s32 s5, s4;
	s13 =	sor.u32 $0x83000, s4;
	s3 =	sadd.s32 s7, s4  }
0x18: {  	s9 =	sor.u32 $0x183000, s4;
	s5 =	sadd.s32 s7, s14;
	s11 =	simm.s32 $0x0  }
0x19: {  	[dreg:$0xb] =	wrdreg s0;
	s0 =	sadd.s32 s7, s22;
	s15 =	sadd.s32 s6, s2  }
0x1a: {  	s16 =	sadd.s32 s7, s2;
	s22 =	sadd.s32 s6, s10;
	s31 =	sadd.s32 s6, s13  }
0x1b: {  	s2 =	sadd.s32 s6, s4;
	s4 =	sadd.s32 s6, s14;
	s6 =	sadd.s32 s6, s9  }
0x1c: {  	s10 =	simm.s32 $0x8000;
	[dreg:$0xd] =	wrdreg s0;
	s0 =	sadd.s32 s7, s13  }
0x1d: {  	s7 =	sadd.s32 s7, s9;
	s9 =	simm.s32 $0x1;
	_ =	strace $0x8000004D  }
.LBB2_1:
0x1e: {  	[tilespmem:s1], [sflag:$0x1] =	stream.linear.gather [hbm4b:s26+s1], $0x8000, $0x38;
	[tilespmem:$0x10000] =	vst v63  }
0x1f: {  	_ =	swait.ge [sflag:s9], $0x8000  }
0x20: {  	[sflag:s9] =	ssyncset.done $0x0  }
0x21: {  	[sflag:s9] =	ssyncadd.s32 $0xFFFF8000  }
0x22: {  	[tilespmem:s10], [sflag:$0x1] =	stream.linear.gather [hbm4b:s2+s1], $0x8000, $0x38;
	[tilespmem:$0x10000] =	vst v63  }
0x23: {  	_ =	swait.ge [sflag:s9], $0x8000  }
0x24: {  	[sflag:s9] =	ssyncset.done $0x0  }
0x25: {  	s12 =	simm.s32 $0x0;
	[sflag:s9] =	ssyncadd.s32 $0xFFFF8000  }
0x26: {  	v0 =	vld [tilespmem:s12+$0x70]  }
0x27: {  	v1 =	vld [tilespmem:s12+$0x0]  }
0x28: {  	v2 =	vld [tilespmem:s12+$0x10]  }
0x29: {  	v3 =	vld [tilespmem:s12+$0x20]  }
0x2a: {  	v4 =	vld [tilespmem:s12+$0x30]  }
0x2b: {  	v5 =	vld [tilespmem:s12+$0x40]  }
0x2c: {  	v6 =	vld [tilespmem:s12+$0x50]  }
0x2d: {  	[tilespmem:s12+$0x8070] =	vst.add.f32.msk $0xffff, v0  }
0x2e: {  	v0 =	vld [tilespmem:s12+$0x60]  }
0x2f: {  	[tilespmem:s12+$0x8000] =	vst.add.f32.msk $0xffff, v1  }
0x30: {  	[tilespmem:s12+$0x8010] =	vst.add.f32.msk $0xffff, v2  }
0x31: {  	[tilespmem:s12+$0x8020] =	vst.add.f32.msk $0xffff, v3  }
0x32: {  	[tilespmem:s12+$0x8030] =	vst.add.f32.msk $0xffff, v4  }
0x33: {  	[tilespmem:s12+$0x8040] =	vst.add.f32.msk $0xffff, v5  }
0x34: {  	s13 =	simm.s32 $0x0;
	s14 =	simm.s32 $0x200;
	[tilespmem:s12+$0x8050] =	vst.add.f32.msk $0xffff, v6  }
.LBB2_2:
0x35: {  	s13 =	sadd.s32 $0x80, s13;
	[tilespmem:s12+$0x8060] =	vst.add.f32.msk $0xffff, v0;
	s12 =	sshra.s32 s14, $0x2  }
0x36: {  	v0 =	vld [tilespmem:s12+$0x70];
	p0 =	slt.u32 s13, $0x7F80  }
0x37: {  	v1 =	vld [tilespmem:s12+$0x0]  }
0x38: {  	v2 =	vld [tilespmem:s12+$0x10]  }
0x39: {  	v3 =	vld [tilespmem:s12+$0x20]  }
0x3a: {  	v4 =	vld [tilespmem:s12+$0x30]  }
0x3b: {  	[tilespmem:s12+$0x8070] =	vst.add.f32.msk $0xffff, v0  }
0x3c: {  	v5 =	vld [tilespmem:s12+$0x40]  }
0x3d: {  	v6 =	vld [tilespmem:s12+$0x50]  }
0x3e: {  	v0 =	vld [tilespmem:s12+$0x60]  }
0x3f: {  	[tilespmem:s12+$0x8000] =	vst.add.f32.msk $0xffff, v1  }
.Ltmp0:
0x40: {  	[tilespmem:s12+$0x8010] =	vst.add.f32.msk $0xffff, v2;
	(pc) =	sbr.rel @p0 .LBB2_2-.Ltmp0, $4  }
0x41: {  	[tilespmem:s12+$0x8020] =	vst.add.f32.msk $0xffff, v3  }
0x42: {  	[tilespmem:s12+$0x8030] =	vst.add.f32.msk $0xffff, v4  }
0x43: {  	[tilespmem:s12+$0x8040] =	vst.add.f32.msk $0xffff, v5  }
0x44: {  	s14 =	sadd.s32 $0x200, s14;
	[tilespmem:s12+$0x8050] =	vst.add.f32.msk $0xffff, v6  }
0x45: {  	[tilespmem:s12+$0x8060] =	vst.add.f32.msk $0xffff, v0;
	s14 =	simm.s32 $0x0  }
0x46: {  	[hbm4b:s3+s14] =	stream.linear.scatter [tilespmem:s10], [sflag:$0x1], $0x8000, $0x38;
	[tilespmem:$0x10000] =	vst v63  }
0x47: {  	_ =	swait.ge [sflag:s9], $0x8000  }
0x48: {  	[sflag:s9] =	ssyncset.done $0x0  }
0x49: {  	s13 =	rddreg [dreg:$0x3];
	[sflag:s9] =	ssyncadd.s32 $0xFFFF8000  }
0x4a: {  	[tilespmem:s10], [sflag:$0x1] =	stream.linear.gather [hbm4b:s13+s14], $0x8000, $0x38;
	[tilespmem:$0x10000] =	vst v63  }
0x4b: {  	_ =	swait.ge [sflag:s9], $0x8000  }
0x4c: {  	[sflag:s9] =	ssyncset.done $0x0  }
0x4d: {  	s12 =	simm.s32 $0x0;
	[sflag:s9] =	ssyncadd.s32 $0xFFFF8000  }
0x4e: {  	v0 =	vld [tilespmem:s12+$0x70]  }
0x4f: {  	v1 =	vld [tilespmem:s12+$0x0]  }
0x50: {  	v2 =	vld [tilespmem:s12+$0x10]  }
0x51: {  	v3 =	vld [tilespmem:s12+$0x20]  }
0x52: {  	v4 =	vld [tilespmem:s12+$0x30]  }
0x53: {  	v5 =	vld [tilespmem:s12+$0x40]  }
0x54: {  	v6 =	vld [tilespmem:s12+$0x50]  }
0x55: {  	[tilespmem:s12+$0x8070] =	vst.add.f32.msk $0xffff, v0  }
0x56: {  	v0 =	vld [tilespmem:s12+$0x60]  }
0x57: {  	[tilespmem:s12+$0x8000] =	vst.add.f32.msk $0xffff, v1  }
0x58: {  	[tilespmem:s12+$0x8010] =	vst.add.f32.msk $0xffff, v2  }
0x59: {  	[tilespmem:s12+$0x8020] =	vst.add.f32.msk $0xffff, v3  }
0x5a: {  	[tilespmem:s12+$0x8030] =	vst.add.f32.msk $0xffff, v4  }
0x5b: {  	[tilespmem:s12+$0x8040] =	vst.add.f32.msk $0xffff, v5  }
0x5c: {  	s13 =	simm.s32 $0x0;
	s14 =	simm.s32 $0x200;
	[tilespmem:s12+$0x8050] =	vst.add.f32.msk $0xffff, v6  }
.LBB2_4:
0x5d: {  	s13 =	sadd.s32 $0x80, s13;
	[tilespmem:s12+$0x8060] =	vst.add.f32.msk $0xffff, v0;
	s12 =	sshra.s32 s14, $0x2  }
0x5e: {  	v0 =	vld [tilespmem:s12+$0x70];
	p0 =	slt.u32 s13, $0x7F80  }
0x5f: {  	v1 =	vld [tilespmem:s12+$0x0]  }
0x60: {  	v2 =	vld [tilespmem:s12+$0x10]  }
0x61: {  	v3 =	vld [tilespmem:s12+$0x20]  }
0x62: {  	v4 =	vld [tilespmem:s12+$0x30]  }
0x63: {  	[tilespmem:s12+$0x8070] =	vst.add.f32.msk $0xffff, v0  }
0x64: {  	v5 =	vld [tilespmem:s12+$0x40]  }
0x65: {  	v6 =	vld [tilespmem:s12+$0x50]  }
0x66: {  	v0 =	vld [tilespmem:s12+$0x60]  }
0x67: {  	[tilespmem:s12+$0x8000] =	vst.add.f32.msk $0xffff, v1  }
.Ltmp1:
0x68: {  	[tilespmem:s12+$0x8010] =	vst.add.f32.msk $0xffff, v2;
	(pc) =	sbr.rel @p0 .LBB2_4-.Ltmp1, $4  }
0x69: {  	[tilespmem:s12+$0x8020] =	vst.add.f32.msk $0xffff, v3  }
0x6a: {  	[tilespmem:s12+$0x8030] =	vst.add.f32.msk $0xffff, v4  }
0x6b: {  	[tilespmem:s12+$0x8040] =	vst.add.f32.msk $0xffff, v5  }
0x6c: {  	s14 =	sadd.s32 $0x200, s14;
	[tilespmem:s12+$0x8050] =	vst.add.f32.msk $0xffff, v6  }
0x6d: {  	[tilespmem:s12+$0x8060] =	vst.add.f32.msk $0xffff, v0  }
0x6e: {  	s12 =	simm.s32 $0x0;
	s13 =	rddreg [dreg:$0x4]  }
0x6f: {  	[hbm4b:s13+s12] =	stream.linear.scatter [tilespmem:s10], [sflag:$0x1], $0x8000, $0x38;
	[tilespmem:$0x10000] =	vst v63  }
0x70: {  	_ =	swait.ge [sflag:s9], $0x8000  }
0x71: {  	[sflag:s9] =	ssyncset.done $0x0  }
0x72: {  	s14 =	rddreg [dreg:$0x5];
	[sflag:s9] =	ssyncadd.s32 $0xFFFF8000  }
0x73: {  	[tilespmem:s10], [sflag:$0x1] =	stream.linear.gather [hbm4b:s14+s12], $0x8000, $0x38;
	[tilespmem:$0x10000] =	vst v63  }
0x74: {  	_ =	swait.ge [sflag:s9], $0x8000  }
0x75: {  	[sflag:s9] =	ssyncset.done $0x0  }
0x76: {  	s12 =	simm.s32 $0x0;
	[sflag:s9] =	ssyncadd.s32 $0xFFFF8000  }
0x77: {  	v0 =	vld [tilespmem:s12+$0x70]  }
0x78: {  	v1 =	vld [tilespmem:s12+$0x0]  }
0x79: {  	v2 =	vld [tilespmem:s12+$0x10]  }
0x7a: {  	v3 =	vld [tilespmem:s12+$0x20]  }
0x7b: {  	v4 =	vld [tilespmem:s12+$0x30]  }
0x7c: {  	v5 =	vld [tilespmem:s12+$0x40]  }
0x7d: {  	v6 =	vld [tilespmem:s12+$0x50]  }
0x7e: {  	[tilespmem:s12+$0x8070] =	vst.add.f32.msk $0xffff, v0  }
0x7f: {  	v0 =	vld [tilespmem:s12+$0x60]  }
0x80: {  	[tilespmem:s12+$0x8000] =	vst.add.f32.msk $0xffff, v1  }
0x81: {  	[tilespmem:s12+$0x8010] =	vst.add.f32.msk $0xffff, v2  }
0x82: {  	[tilespmem:s12+$0x8020] =	vst.add.f32.msk $0xffff, v3  }
0x83: {  	[tilespmem:s12+$0x8030] =	vst.add.f32.msk $0xffff, v4  }
0x84: {  	[tilespmem:s12+$0x8040] =	vst.add.f32.msk $0xffff, v5  }
0x85: {  	s13 =	simm.s32 $0x0;
	s14 =	simm.s32 $0x200;
	[tilespmem:s12+$0x8050] =	vst.add.f32.msk $0xffff, v6  }
.LBB2_6:
0x86: {  	s13 =	sadd.s32 $0x80, s13;
	[tilespmem:s12+$0x8060] =	vst.add.f32.msk $0xffff, v0;
	s12 =	sshra.s32 s14, $0x2  }
0x87: {  	v0 =	vld [tilespmem:s12+$0x70];
	p0 =	slt.u32 s13, $0x7F80  }
0x88: {  	v1 =	vld [tilespmem:s12+$0x0]  }
0x89: {  	v2 =	vld [tilespmem:s12+$0x10]  }
0x8a: {  	v3 =	vld [tilespmem:s12+$0x20]  }
0x8b: {  	v4 =	vld [tilespmem:s12+$0x30]  }
0x8c: {  	[tilespmem:s12+$0x8070] =	vst.add.f32.msk $0xffff, v0  }
0x8d: {  	v5 =	vld [tilespmem:s12+$0x40]  }
0x8e: {  	v6 =	vld [tilespmem:s12+$0x50]  }
0x8f: {  	v0 =	vld [tilespmem:s12+$0x60]  }
0x90: {  	[tilespmem:s12+$0x8000] =	vst.add.f32.msk $0xffff, v1  }
.Ltmp2:
0x91: {  	[tilespmem:s12+$0x8010] =	vst.add.f32.msk $0xffff, v2;
	(pc) =	sbr.rel @p0 .LBB2_6-.Ltmp2, $4  }
0x92: {  	[tilespmem:s12+$0x8020] =	vst.add.f32.msk $0xffff, v3  }
0x93: {  	[tilespmem:s12+$0x8030] =	vst.add.f32.msk $0xffff, v4  }
0x94: {  	[tilespmem:s12+$0x8040] =	vst.add.f32.msk $0xffff, v5  }
0x95: {  	s14 =	sadd.s32 $0x200, s14;
	[tilespmem:s12+$0x8050] =	vst.add.f32.msk $0xffff, v6  }
0x96: {  	[tilespmem:s12+$0x8060] =	vst.add.f32.msk $0xffff, v0  }
0x97: {  	s12 =	simm.s32 $0x0;
	s13 =	rddreg [dreg:$0x6]  }
0x98: {  	[hbm4b:s13+s12] =	stream.linear.scatter [tilespmem:s10], [sflag:$0x1], $0x8000, $0x38;
	[tilespmem:$0x10000] =	vst v63  }
0x99: {  	_ =	swait.ge [sflag:s9], $0x8000  }
0x9a: {  	[sflag:s9] =	ssyncset.done $0x0  }
0x9b: {  	s14 =	rddreg [dreg:$0x7];
	[sflag:s9] =	ssyncadd.s32 $0xFFFF8000  }
0x9c: {  	[tilespmem:s10], [sflag:$0x1] =	stream.linear.gather [hbm4b:s14+s12], $0x8000, $0x38;
	[tilespmem:$0x10000] =	vst v63  }
0x9d: {  	_ =	swait.ge [sflag:s9], $0x8000  }
0x9e: {  	[sflag:s9] =	ssyncset.done $0x0  }
0x9f: {  	s12 =	simm.s32 $0x0;
	[sflag:s9] =	ssyncadd.s32 $0xFFFF8000  }
0xa0: {  	v0 =	vld [tilespmem:s12+$0x70]  }
0xa1: {  	v1 =	vld [tilespmem:s12+$0x0]  }
0xa2: {  	v2 =	vld [tilespmem:s12+$0x10]  }
0xa3: {  	v3 =	vld [tilespmem:s12+$0x20]  }
0xa4: {  	v4 =	vld [tilespmem:s12+$0x30]  }
0xa5: {  	v5 =	vld [tilespmem:s12+$0x40]  }
0xa6: {  	v6 =	vld [tilespmem:s12+$0x50]  }
0xa7: {  	[tilespmem:s12+$0x8070] =	vst.add.f32.msk $0xffff, v0  }
0xa8: {  	v0 =	vld [tilespmem:s12+$0x60]  }
0xa9: {  	[tilespmem:s12+$0x8000] =	vst.add.f32.msk $0xffff, v1  }
0xaa: {  	[tilespmem:s12+$0x8010] =	vst.add.f32.msk $0xffff, v2  }
0xab: {  	[tilespmem:s12+$0x8020] =	vst.add.f32.msk $0xffff, v3  }
0xac: {  	[tilespmem:s12+$0x8030] =	vst.add.f32.msk $0xffff, v4  }
0xad: {  	[tilespmem:s12+$0x8040] =	vst.add.f32.msk $0xffff, v5  }
0xae: {  	s13 =	simm.s32 $0x0;
	s14 =	simm.s32 $0x200;
	[tilespmem:s12+$0x8050] =	vst.add.f32.msk $0xffff, v6  }
.LBB2_8:
0xaf: {  	s13 =	sadd.s32 $0x80, s13;
	[tilespmem:s12+$0x8060] =	vst.add.f32.msk $0xffff, v0;
	s12 =	sshra.s32 s14, $0x2  }
0xb0: {  	v0 =	vld [tilespmem:s12+$0x70];
	p0 =	slt.u32 s13, $0x7F80  }
0xb1: {  	v1 =	vld [tilespmem:s12+$0x0]  }
0xb2: {  	v2 =	vld [tilespmem:s12+$0x10]  }
0xb3: {  	v3 =	vld [tilespmem:s12+$0x20]  }
0xb4: {  	v4 =	vld [tilespmem:s12+$0x30]  }
0xb5: {  	[tilespmem:s12+$0x8070] =	vst.add.f32.msk $0xffff, v0  }
0xb6: {  	v5 =	vld [tilespmem:s12+$0x40]  }
0xb7: {  	v6 =	vld [tilespmem:s12+$0x50]  }
0xb8: {  	v0 =	vld [tilespmem:s12+$0x60]  }
0xb9: {  	[tilespmem:s12+$0x8000] =	vst.add.f32.msk $0xffff, v1  }
.Ltmp3:
0xba: {  	[tilespmem:s12+$0x8010] =	vst.add.f32.msk $0xffff, v2;
	(pc) =	sbr.rel @p0 .LBB2_8-.Ltmp3, $4  }
0xbb: {  	[tilespmem:s12+$0x8020] =	vst.add.f32.msk $0xffff, v3  }
0xbc: {  	[tilespmem:s12+$0x8030] =	vst.add.f32.msk $0xffff, v4  }
0xbd: {  	[tilespmem:s12+$0x8040] =	vst.add.f32.msk $0xffff, v5  }
0xbe: {  	s14 =	sadd.s32 $0x200, s14;
	[tilespmem:s12+$0x8050] =	vst.add.f32.msk $0xffff, v6  }
0xbf: {  	[tilespmem:s12+$0x8060] =	vst.add.f32.msk $0xffff, v0  }
0xc0: {  	s12 =	simm.s32 $0x0;
	s13 =	rddreg [dreg:$0x8]  }
0xc1: {  	[hbm4b:s13+s12] =	stream.linear.scatter [tilespmem:s10], [sflag:$0x1], $0x8000, $0x38;
	[tilespmem:$0x10000] =	vst v63  }
0xc2: {  	_ =	swait.ge [sflag:s9], $0x8000  }
0xc3: {  	[sflag:s9] =	ssyncset.done $0x0  }
0xc4: {  	s14 =	rddreg [dreg:$0x9];
	[sflag:s9] =	ssyncadd.s32 $0xFFFF8000  }
0xc5: {  	[tilespmem:s12], [sflag:$0x1] =	stream.linear.gather [hbm4b:s14+s12], $0x8000, $0x38;
	[tilespmem:$0x10000] =	vst v63  }
0xc6: {  	_ =	swait.ge [sflag:s9], $0x8000  }
0xc7: {  	[sflag:s9] =	ssyncset.done $0x0  }
0xc8: {  	s14 =	rddreg [dreg:$0xa];
	[sflag:s9] =	ssyncadd.s32 $0xFFFF8000  }
0xc9: {  	[tilespmem:s10], [sflag:$0x1] =	stream.linear.gather [hbm4b:s14+s12], $0x8000, $0x38;
	[tilespmem:$0x10000] =	vst v63  }
0xca: {  	_ =	swait.ge [sflag:s9], $0x8000  }
0xcb: {  	[sflag:s9] =	ssyncset.done $0x0  }
0xcc: {  	s12 =	simm.s32 $0x0;
	[sflag:s9] =	ssyncadd.s32 $0xFFFF8000  }
0xcd: {  	v0 =	vld [tilespmem:s12+$0x70]  }
0xce: {  	v1 =	vld [tilespmem:s12+$0x0]  }
0xcf: {  	v2 =	vld [tilespmem:s12+$0x10]  }
0xd0: {  	v3 =	vld [tilespmem:s12+$0x20]  }
0xd1: {  	v4 =	vld [tilespmem:s12+$0x30]  }
0xd2: {  	v5 =	vld [tilespmem:s12+$0x40]  }
0xd3: {  	v6 =	vld [tilespmem:s12+$0x50]  }
0xd4: {  	[tilespmem:s12+$0x8070] =	vst.add.f32.msk $0xffff, v0  }
0xd5: {  	v0 =	vld [tilespmem:s12+$0x60]  }
0xd6: {  	[tilespmem:s12+$0x8000] =	vst.add.f32.msk $0xffff, v1  }
0xd7: {  	[tilespmem:s12+$0x8010] =	vst.add.f32.msk $0xffff, v2  }
0xd8: {  	[tilespmem:s12+$0x8020] =	vst.add.f32.msk $0xffff, v3  }
0xd9: {  	[tilespmem:s12+$0x8030] =	vst.add.f32.msk $0xffff, v4  }
0xda: {  	[tilespmem:s12+$0x8040] =	vst.add.f32.msk $0xffff, v5  }
0xdb: {  	s13 =	simm.s32 $0x0;
	s14 =	simm.s32 $0x200;
	[tilespmem:s12+$0x8050] =	vst.add.f32.msk $0xffff, v6  }
.LBB2_10:
0xdc: {  	s13 =	sadd.s32 $0x80, s13;
	[tilespmem:s12+$0x8060] =	vst.add.f32.msk $0xffff, v0;
	s12 =	sshra.s32 s14, $0x2  }
0xdd: {  	v0 =	vld [tilespmem:s12+$0x70];
	p0 =	slt.u32 s13, $0x7F80  }
0xde: {  	v1 =	vld [tilespmem:s12+$0x0]  }
0xdf: {  	v2 =	vld [tilespmem:s12+$0x10]  }
0xe0: {  	v3 =	vld [tilespmem:s12+$0x20]  }
0xe1: {  	v4 =	vld [tilespmem:s12+$0x30]  }
0xe2: {  	[tilespmem:s12+$0x8070] =	vst.add.f32.msk $0xffff, v0  }
0xe3: {  	v5 =	vld [tilespmem:s12+$0x40]  }
0xe4: {  	v6 =	vld [tilespmem:s12+$0x50]  }
0xe5: {  	v0 =	vld [tilespmem:s12+$0x60]  }
0xe6: {  	[tilespmem:s12+$0x8000] =	vst.add.f32.msk $0xffff, v1  }
.Ltmp4:
0xe7: {  	[tilespmem:s12+$0x8010] =	vst.add.f32.msk $0xffff, v2;
	(pc) =	sbr.rel @p0 .LBB2_10-.Ltmp4, $4  }
0xe8: {  	[tilespmem:s12+$0x8020] =	vst.add.f32.msk $0xffff, v3  }
0xe9: {  	[tilespmem:s12+$0x8030] =	vst.add.f32.msk $0xffff, v4  }
0xea: {  	[tilespmem:s12+$0x8040] =	vst.add.f32.msk $0xffff, v5  }
0xeb: {  	s14 =	sadd.s32 $0x200, s14;
	[tilespmem:s12+$0x8050] =	vst.add.f32.msk $0xffff, v6  }
0xec: {  	[tilespmem:s12+$0x8060] =	vst.add.f32.msk $0xffff, v0  }
0xed: {  	s12 =	simm.s32 $0x0;
	s13 =	rddreg [dreg:$0xb]  }
0xee: {  	[hbm4b:s13+s12] =	stream.linear.scatter [tilespmem:s10], [sflag:$0x1], $0x8000, $0x38;
	[tilespmem:$0x10000] =	vst v63  }
0xef: {  	_ =	swait.ge [sflag:s9], $0x8000  }
0xf0: {  	[sflag:s9] =	ssyncset.done $0x0  }
0xf1: {  	s14 =	rddreg [dreg:$0xc];
	[sflag:s9] =	ssyncadd.s32 $0xFFFF8000  }
0xf2: {  	[tilespmem:s10], [sflag:$0x1] =	stream.linear.gather [hbm4b:s14+s12], $0x8000, $0x38;
	[tilespmem:$0x10000] =	vst v63  }
0xf3: {  	_ =	swait.ge [sflag:s9], $0x8000  }
0xf4: {  	[sflag:s9] =	ssyncset.done $0x0  }
0xf5: {  	s12 =	simm.s32 $0x0;
	[sflag:s9] =	ssyncadd.s32 $0xFFFF8000  }
0xf6: {  	v0 =	vld [tilespmem:s12+$0x70]  }
0xf7: {  	v1 =	vld [tilespmem:s12+$0x0]  }
0xf8: {  	v2 =	vld [tilespmem:s12+$0x10]  }
0xf9: {  	v3 =	vld [tilespmem:s12+$0x20]  }
0xfa: {  	v4 =	vld [tilespmem:s12+$0x30]  }
0xfb: {  	v5 =	vld [tilespmem:s12+$0x40]  }
0xfc: {  	v6 =	vld [tilespmem:s12+$0x50]  }
0xfd: {  	[tilespmem:s12+$0x8070] =	vst.add.f32.msk $0xffff, v0  }
0xfe: {  	v0 =	vld [tilespmem:s12+$0x60]  }
0xff: {  	[tilespmem:s12+$0x8000] =	vst.add.f32.msk $0xffff, v1  }
0x100: {  	[tilespmem:s12+$0x8010] =	vst.add.f32.msk $0xffff, v2  }
0x101: {  	[tilespmem:s12+$0x8020] =	vst.add.f32.msk $0xffff, v3  }
0x102: {  	[tilespmem:s12+$0x8030] =	vst.add.f32.msk $0xffff, v4  }
0x103: {  	[tilespmem:s12+$0x8040] =	vst.add.f32.msk $0xffff, v5  }
0x104: {  	s13 =	simm.s32 $0x0;
	s14 =	simm.s32 $0x200;
	[tilespmem:s12+$0x8050] =	vst.add.f32.msk $0xffff, v6  }
.LBB2_12:
0x105: {  	s13 =	sadd.s32 $0x80, s13;
	[tilespmem:s12+$0x8060] =	vst.add.f32.msk $0xffff, v0;
	s12 =	sshra.s32 s14, $0x2  }
0x106: {  	v0 =	vld [tilespmem:s12+$0x70];
	p0 =	slt.u32 s13, $0x7F80  }
0x107: {  	v1 =	vld [tilespmem:s12+$0x0]  }
0x108: {  	v2 =	vld [tilespmem:s12+$0x10]  }
0x109: {  	v3 =	vld [tilespmem:s12+$0x20]  }
0x10a: {  	v4 =	vld [tilespmem:s12+$0x30]  }
0x10b: {  	[tilespmem:s12+$0x8070] =	vst.add.f32.msk $0xffff, v0  }
0x10c: {  	v5 =	vld [tilespmem:s12+$0x40]  }
0x10d: {  	v6 =	vld [tilespmem:s12+$0x50]  }
0x10e: {  	v0 =	vld [tilespmem:s12+$0x60]  }
0x10f: {  	[tilespmem:s12+$0x8000] =	vst.add.f32.msk $0xffff, v1  }
.Ltmp5:
0x110: {  	[tilespmem:s12+$0x8010] =	vst.add.f32.msk $0xffff, v2;
	(pc) =	sbr.rel @p0 .LBB2_12-.Ltmp5, $4  }
0x111: {  	[tilespmem:s12+$0x8020] =	vst.add.f32.msk $0xffff, v3  }
0x112: {  	[tilespmem:s12+$0x8030] =	vst.add.f32.msk $0xffff, v4  }
0x113: {  	[tilespmem:s12+$0x8040] =	vst.add.f32.msk $0xffff, v5  }
0x114: {  	s14 =	sadd.s32 $0x200, s14;
	[tilespmem:s12+$0x8050] =	vst.add.f32.msk $0xffff, v6  }
0x115: {  	[tilespmem:s12+$0x8060] =	vst.add.f32.msk $0xffff, v0  }
0x116: {  	s12 =	simm.s32 $0x0;
	s13 =	rddreg [dreg:$0xd]  }
0x117: {  	[hbm4b:s13+s12] =	stream.linear.scatter [tilespmem:s10], [sflag:$0x1], $0x8000, $0x38;
	[tilespmem:$0x10000] =	vst v63  }
0x118: {  	_ =	swait.ge [sflag:s9], $0x8000  }
0x119: {  	[sflag:s9] =	ssyncset.done $0x0  }
0x11a: {  	s14 =	rddreg [dreg:$0xe];
	[sflag:s9] =	ssyncadd.s32 $0xFFFF8000  }
0x11b: {  	[tilespmem:s10], [sflag:$0x1] =	stream.linear.gather [hbm4b:s14+s12], $0x8000, $0x38;
	[tilespmem:$0x10000] =	vst v63  }
0x11c: {  	_ =	swait.ge [sflag:s9], $0x8000  }
0x11d: {  	[sflag:s9] =	ssyncset.done $0x0  }
0x11e: {  	s12 =	simm.s32 $0x0;
	[sflag:s9] =	ssyncadd.s32 $0xFFFF8000  }
0x11f: {  	v0 =	vld [tilespmem:s12+$0x70]  }
0x120: {  	v1 =	vld [tilespmem:s12+$0x0]  }
0x121: {  	v2 =	vld [tilespmem:s12+$0x10]  }
0x122: {  	v3 =	vld [tilespmem:s12+$0x20]  }
0x123: {  	v4 =	vld [tilespmem:s12+$0x30]  }
0x124: {  	v5 =	vld [tilespmem:s12+$0x40]  }
0x125: {  	v6 =	vld [tilespmem:s12+$0x50]  }
0x126: {  	[tilespmem:s12+$0x8070] =	vst.add.f32.msk $0xffff, v0  }
0x127: {  	v0 =	vld [tilespmem:s12+$0x60]  }
0x128: {  	[tilespmem:s12+$0x8000] =	vst.add.f32.msk $0xffff, v1  }
0x129: {  	[tilespmem:s12+$0x8010] =	vst.add.f32.msk $0xffff, v2  }
0x12a: {  	[tilespmem:s12+$0x8020] =	vst.add.f32.msk $0xffff, v3  }
0x12b: {  	[tilespmem:s12+$0x8030] =	vst.add.f32.msk $0xffff, v4  }
0x12c: {  	[tilespmem:s12+$0x8040] =	vst.add.f32.msk $0xffff, v5  }
0x12d: {  	s13 =	simm.s32 $0x0;
	s14 =	simm.s32 $0x200;
	[tilespmem:s12+$0x8050] =	vst.add.f32.msk $0xffff, v6  }
.LBB2_14:
0x12e: {  	s13 =	sadd.s32 $0x80, s13;
	[tilespmem:s12+$0x8060] =	vst.add.f32.msk $0xffff, v0;
	s12 =	sshra.s32 s14, $0x2  }
0x12f: {  	v0 =	vld [tilespmem:s12+$0x70];
	p0 =	slt.u32 s13, $0x7F80  }
0x130: {  	v1 =	vld [tilespmem:s12+$0x0]  }
0x131: {  	v2 =	vld [tilespmem:s12+$0x10]  }
0x132: {  	v3 =	vld [tilespmem:s12+$0x20]  }
0x133: {  	v4 =	vld [tilespmem:s12+$0x30]  }
0x134: {  	[tilespmem:s12+$0x8070] =	vst.add.f32.msk $0xffff, v0  }
0x135: {  	v5 =	vld [tilespmem:s12+$0x40]  }
0x136: {  	v6 =	vld [tilespmem:s12+$0x50]  }
0x137: {  	v0 =	vld [tilespmem:s12+$0x60]  }
0x138: {  	[tilespmem:s12+$0x8000] =	vst.add.f32.msk $0xffff, v1  }
.Ltmp6:
0x139: {  	[tilespmem:s12+$0x8010] =	vst.add.f32.msk $0xffff, v2;
	(pc) =	sbr.rel @p0 .LBB2_14-.Ltmp6, $4  }
0x13a: {  	[tilespmem:s12+$0x8020] =	vst.add.f32.msk $0xffff, v3  }
0x13b: {  	[tilespmem:s12+$0x8030] =	vst.add.f32.msk $0xffff, v4  }
0x13c: {  	[tilespmem:s12+$0x8040] =	vst.add.f32.msk $0xffff, v5  }
0x13d: {  	s14 =	sadd.s32 $0x200, s14;
	[tilespmem:s12+$0x8050] =	vst.add.f32.msk $0xffff, v6  }
0x13e: {  	[tilespmem:s12+$0x8060] =	vst.add.f32.msk $0xffff, v0  }
0x13f: {  	s14 =	simm.s32 $0x0;
	s13 =	rddreg [dreg:$0xf]  }
0x140: {  	[hbm4b:s13+s14] =	stream.linear.scatter [tilespmem:s10], [sflag:$0x1], $0x8000, $0x38;
	[tilespmem:$0x10000] =	vst v63  }
0x141: {  	_ =	swait.ge [sflag:s9], $0x8000  }
0x142: {  	[sflag:s9] =	ssyncset.done $0x0  }
0x143: {  	[sflag:s9] =	ssyncadd.s32 $0xFFFF8000  }
0x144: {  	[tilespmem:s10], [sflag:$0x1] =	stream.linear.gather [hbm4b:s15+s14], $0x8000, $0x38;
	[tilespmem:$0x10000] =	vst v63  }
0x145: {  	_ =	swait.ge [sflag:s9], $0x8000  }
0x146: {  	[sflag:s9] =	ssyncset.done $0x0  }
0x147: {  	s12 =	simm.s32 $0x0;
	[sflag:s9] =	ssyncadd.s32 $0xFFFF8000  }
0x148: {  	v0 =	vld [tilespmem:s12+$0x70]  }
0x149: {  	v1 =	vld [tilespmem:s12+$0x0]  }
0x14a: {  	v2 =	vld [tilespmem:s12+$0x10]  }
0x14b: {  	v3 =	vld [tilespmem:s12+$0x20]  }
0x14c: {  	v4 =	vld [tilespmem:s12+$0x30]  }
0x14d: {  	v5 =	vld [tilespmem:s12+$0x40]  }
0x14e: {  	v6 =	vld [tilespmem:s12+$0x50]  }
0x14f: {  	[tilespmem:s12+$0x8070] =	vst.add.f32.msk $0xffff, v0  }
0x150: {  	v0 =	vld [tilespmem:s12+$0x60]  }
0x151: {  	[tilespmem:s12+$0x8000] =	vst.add.f32.msk $0xffff, v1  }
0x152: {  	[tilespmem:s12+$0x8010] =	vst.add.f32.msk $0xffff, v2  }
0x153: {  	[tilespmem:s12+$0x8020] =	vst.add.f32.msk $0xffff, v3  }
0x154: {  	[tilespmem:s12+$0x8030] =	vst.add.f32.msk $0xffff, v4  }
0x155: {  	[tilespmem:s12+$0x8040] =	vst.add.f32.msk $0xffff, v5  }
0x156: {  	s13 =	simm.s32 $0x0;
	s14 =	simm.s32 $0x200;
	[tilespmem:s12+$0x8050] =	vst.add.f32.msk $0xffff, v6  }
.LBB2_16:
0x157: {  	s13 =	sadd.s32 $0x80, s13;
	[tilespmem:s12+$0x8060] =	vst.add.f32.msk $0xffff, v0;
	s12 =	sshra.s32 s14, $0x2  }
0x158: {  	v0 =	vld [tilespmem:s12+$0x70];
	p0 =	slt.u32 s13, $0x7F80  }
0x159: {  	v1 =	vld [tilespmem:s12+$0x0]  }
0x15a: {  	v2 =	vld [tilespmem:s12+$0x10]  }
0x15b: {  	v3 =	vld [tilespmem:s12+$0x20]  }
0x15c: {  	v4 =	vld [tilespmem:s12+$0x30]  }
0x15d: {  	[tilespmem:s12+$0x8070] =	vst.add.f32.msk $0xffff, v0  }
0x15e: {  	v5 =	vld [tilespmem:s12+$0x40]  }
0x15f: {  	v6 =	vld [tilespmem:s12+$0x50]  }
0x160: {  	v0 =	vld [tilespmem:s12+$0x60]  }
0x161: {  	[tilespmem:s12+$0x8000] =	vst.add.f32.msk $0xffff, v1  }
.Ltmp7:
0x162: {  	[tilespmem:s12+$0x8010] =	vst.add.f32.msk $0xffff, v2;
	(pc) =	sbr.rel @p0 .LBB2_16-.Ltmp7, $4  }
0x163: {  	[tilespmem:s12+$0x8020] =	vst.add.f32.msk $0xffff, v3  }
0x164: {  	[tilespmem:s12+$0x8030] =	vst.add.f32.msk $0xffff, v4  }
0x165: {  	[tilespmem:s12+$0x8040] =	vst.add.f32.msk $0xffff, v5  }
0x166: {  	s14 =	sadd.s32 $0x200, s14;
	[tilespmem:s12+$0x8050] =	vst.add.f32.msk $0xffff, v6  }
0x167: {  	[tilespmem:s12+$0x8060] =	vst.add.f32.msk $0xffff, v0;
	s14 =	simm.s32 $0x0  }
0x168: {  	[hbm4b:s16+s14] =	stream.linear.scatter [tilespmem:s10], [sflag:$0x1], $0x8000, $0x38;
	[tilespmem:$0x10000] =	vst v63  }
0x169: {  	_ =	swait.ge [sflag:s9], $0x8000  }
0x16a: {  	[sflag:s9] =	ssyncset.done $0x0  }
0x16b: {  	[sflag:s9] =	ssyncadd.s32 $0xFFFF8000  }
0x16c: {  	[tilespmem:s14], [sflag:$0x1] =	stream.linear.gather [hbm4b:s17+s14], $0x8000, $0x38;
	[tilespmem:$0x10000] =	vst v63  }
0x16d: {  	_ =	swait.ge [sflag:s9], $0x8000  }
0x16e: {  	[sflag:s9] =	ssyncset.done $0x0  }
0x16f: {  	[sflag:s9] =	ssyncadd.s32 $0xFFFF8000  }
0x170: {  	[tilespmem:s10], [sflag:$0x1] =	stream.linear.gather [hbm4b:s18+s14], $0x8000, $0x38;
	[tilespmem:$0x10000] =	vst v63  }
0x171: {  	_ =	swait.ge [sflag:s9], $0x8000  }
0x172: {  	[sflag:s9] =	ssyncset.done $0x0  }
0x173: {  	s12 =	simm.s32 $0x0;
	[sflag:s9] =	ssyncadd.s32 $0xFFFF8000  }
0x174: {  	v0 =	vld [tilespmem:s12+$0x70]  }
0x175: {  	v1 =	vld [tilespmem:s12+$0x0]  }
0x176: {  	v2 =	vld [tilespmem:s12+$0x10]  }
0x177: {  	v3 =	vld [tilespmem:s12+$0x20]  }
0x178: {  	v4 =	vld [tilespmem:s12+$0x30]  }
0x179: {  	v5 =	vld [tilespmem:s12+$0x40]  }
0x17a: {  	v6 =	vld [tilespmem:s12+$0x50]  }
0x17b: {  	[tilespmem:s12+$0x8070] =	vst.add.f32.msk $0xffff, v0  }
0x17c: {  	v0 =	vld [tilespmem:s12+$0x60]  }
0x17d: {  	[tilespmem:s12+$0x8000] =	vst.add.f32.msk $0xffff, v1  }
0x17e: {  	[tilespmem:s12+$0x8010] =	vst.add.f32.msk $0xffff, v2  }
0x17f: {  	[tilespmem:s12+$0x8020] =	vst.add.f32.msk $0xffff, v3  }
0x180: {  	[tilespmem:s12+$0x8030] =	vst.add.f32.msk $0xffff, v4  }
0x181: {  	[tilespmem:s12+$0x8040] =	vst.add.f32.msk $0xffff, v5  }
0x182: {  	s13 =	simm.s32 $0x0;
	s14 =	simm.s32 $0x200;
	[tilespmem:s12+$0x8050] =	vst.add.f32.msk $0xffff, v6  }
.LBB2_18:
0x183: {  	s13 =	sadd.s32 $0x80, s13;
	[tilespmem:s12+$0x8060] =	vst.add.f32.msk $0xffff, v0;
	s12 =	sshra.s32 s14, $0x2  }
0x184: {  	v0 =	vld [tilespmem:s12+$0x70];
	p0 =	slt.u32 s13, $0x7F80  }
0x185: {  	v1 =	vld [tilespmem:s12+$0x0]  }
0x186: {  	v2 =	vld [tilespmem:s12+$0x10]  }
0x187: {  	v3 =	vld [tilespmem:s12+$0x20]  }
0x188: {  	v4 =	vld [tilespmem:s12+$0x30]  }
0x189: {  	[tilespmem:s12+$0x8070] =	vst.add.f32.msk $0xffff, v0  }
0x18a: {  	v5 =	vld [tilespmem:s12+$0x40]  }
0x18b: {  	v6 =	vld [tilespmem:s12+$0x50]  }
0x18c: {  	v0 =	vld [tilespmem:s12+$0x60]  }
0x18d: {  	[tilespmem:s12+$0x8000] =	vst.add.f32.msk $0xffff, v1  }
.Ltmp8:
0x18e: {  	[tilespmem:s12+$0x8010] =	vst.add.f32.msk $0xffff, v2;
	(pc) =	sbr.rel @p0 .LBB2_18-.Ltmp8, $4  }
0x18f: {  	[tilespmem:s12+$0x8020] =	vst.add.f32.msk $0xffff, v3  }
0x190: {  	[tilespmem:s12+$0x8030] =	vst.add.f32.msk $0xffff, v4  }
0x191: {  	[tilespmem:s12+$0x8040] =	vst.add.f32.msk $0xffff, v5  }
0x192: {  	s14 =	sadd.s32 $0x200, s14;
	[tilespmem:s12+$0x8050] =	vst.add.f32.msk $0xffff, v6  }
0x193: {  	[tilespmem:s12+$0x8060] =	vst.add.f32.msk $0xffff, v0;
	s14 =	simm.s32 $0x0  }
0x194: {  	[hbm4b:s19+s14] =	stream.linear.scatter [tilespmem:s10], [sflag:$0x1], $0x8000, $0x38;
	[tilespmem:$0x10000] =	vst v63  }
0x195: {  	_ =	swait.ge [sflag:s9], $0x8000  }
0x196: {  	[sflag:s9] =	ssyncset.done $0x0  }
0x197: {  	[sflag:s9] =	ssyncadd.s32 $0xFFFF8000  }
0x198: {  	[tilespmem:s10], [sflag:$0x1] =	stream.linear.gather [hbm4b:s20+s14], $0x8000, $0x38;
	[tilespmem:$0x10000] =	vst v63  }
0x199: {  	_ =	swait.ge [sflag:s9], $0x8000  }
0x19a: {  	[sflag:s9] =	ssyncset.done $0x0  }
0x19b: {  	s12 =	simm.s32 $0x0;
	[sflag:s9] =	ssyncadd.s32 $0xFFFF8000  }
0x19c: {  	v0 =	vld [tilespmem:s12+$0x70]  }
0x19d: {  	v1 =	vld [tilespmem:s12+$0x0]  }
0x19e: {  	v2 =	vld [tilespmem:s12+$0x10]  }
0x19f: {  	v3 =	vld [tilespmem:s12+$0x20]  }
0x1a0: {  	v4 =	vld [tilespmem:s12+$0x30]  }
0x1a1: {  	v5 =	vld [tilespmem:s12+$0x40]  }
0x1a2: {  	v6 =	vld [tilespmem:s12+$0x50]  }
0x1a3: {  	[tilespmem:s12+$0x8070] =	vst.add.f32.msk $0xffff, v0  }
0x1a4: {  	v0 =	vld [tilespmem:s12+$0x60]  }
0x1a5: {  	[tilespmem:s12+$0x8000] =	vst.add.f32.msk $0xffff, v1  }
0x1a6: {  	[tilespmem:s12+$0x8010] =	vst.add.f32.msk $0xffff, v2  }
0x1a7: {  	[tilespmem:s12+$0x8020] =	vst.add.f32.msk $0xffff, v3  }
0x1a8: {  	[tilespmem:s12+$0x8030] =	vst.add.f32.msk $0xffff, v4  }
0x1a9: {  	[tilespmem:s12+$0x8040] =	vst.add.f32.msk $0xffff, v5  }
0x1aa: {  	s13 =	simm.s32 $0x0;
	s14 =	simm.s32 $0x200;
	[tilespmem:s12+$0x8050] =	vst.add.f32.msk $0xffff, v6  }
.LBB2_20:
0x1ab: {  	s13 =	sadd.s32 $0x80, s13;
	[tilespmem:s12+$0x8060] =	vst.add.f32.msk $0xffff, v0;
	s12 =	sshra.s32 s14, $0x2  }
0x1ac: {  	v0 =	vld [tilespmem:s12+$0x70];
	p0 =	slt.u32 s13, $0x7F80  }
0x1ad: {  	v1 =	vld [tilespmem:s12+$0x0]  }
0x1ae: {  	v2 =	vld [tilespmem:s12+$0x10]  }
0x1af: {  	v3 =	vld [tilespmem:s12+$0x20]  }
0x1b0: {  	v4 =	vld [tilespmem:s12+$0x30]  }
0x1b1: {  	[tilespmem:s12+$0x8070] =	vst.add.f32.msk $0xffff, v0  }
0x1b2: {  	v5 =	vld [tilespmem:s12+$0x40]  }
0x1b3: {  	v6 =	vld [tilespmem:s12+$0x50]  }
0x1b4: {  	v0 =	vld [tilespmem:s12+$0x60]  }
0x1b5: {  	[tilespmem:s12+$0x8000] =	vst.add.f32.msk $0xffff, v1  }
.Ltmp9:
0x1b6: {  	[tilespmem:s12+$0x8010] =	vst.add.f32.msk $0xffff, v2;
	(pc) =	sbr.rel @p0 .LBB2_20-.Ltmp9, $4  }
0x1b7: {  	[tilespmem:s12+$0x8020] =	vst.add.f32.msk $0xffff, v3  }
0x1b8: {  	[tilespmem:s12+$0x8030] =	vst.add.f32.msk $0xffff, v4  }
0x1b9: {  	[tilespmem:s12+$0x8040] =	vst.add.f32.msk $0xffff, v5  }
0x1ba: {  	s14 =	sadd.s32 $0x200, s14;
	[tilespmem:s12+$0x8050] =	vst.add.f32.msk $0xffff, v6  }
0x1bb: {  	[tilespmem:s12+$0x8060] =	vst.add.f32.msk $0xffff, v0;
	s14 =	simm.s32 $0x0  }
0x1bc: {  	[hbm4b:s21+s14] =	stream.linear.scatter [tilespmem:s10], [sflag:$0x1], $0x8000, $0x38;
	[tilespmem:$0x10000] =	vst v63  }
0x1bd: {  	_ =	swait.ge [sflag:s9], $0x8000  }
0x1be: {  	[sflag:s9] =	ssyncset.done $0x0  }
0x1bf: {  	[sflag:s9] =	ssyncadd.s32 $0xFFFF8000  }
0x1c0: {  	[tilespmem:s10], [sflag:$0x1] =	stream.linear.gather [hbm4b:s22+s14], $0x8000, $0x38;
	[tilespmem:$0x10000] =	vst v63  }
0x1c1: {  	_ =	swait.ge [sflag:s9], $0x8000  }
0x1c2: {  	[sflag:s9] =	ssyncset.done $0x0  }
0x1c3: {  	s12 =	simm.s32 $0x0;
	[sflag:s9] =	ssyncadd.s32 $0xFFFF8000  }
0x1c4: {  	v0 =	vld [tilespmem:s12+$0x70]  }
0x1c5: {  	v1 =	vld [tilespmem:s12+$0x0]  }
0x1c6: {  	v2 =	vld [tilespmem:s12+$0x10]  }
0x1c7: {  	v3 =	vld [tilespmem:s12+$0x20]  }
0x1c8: {  	v4 =	vld [tilespmem:s12+$0x30]  }
0x1c9: {  	v5 =	vld [tilespmem:s12+$0x40]  }
0x1ca: {  	v6 =	vld [tilespmem:s12+$0x50]  }
0x1cb: {  	[tilespmem:s12+$0x8070] =	vst.add.f32.msk $0xffff, v0  }
0x1cc: {  	v0 =	vld [tilespmem:s12+$0x60]  }
0x1cd: {  	[tilespmem:s12+$0x8000] =	vst.add.f32.msk $0xffff, v1  }
0x1ce: {  	[tilespmem:s12+$0x8010] =	vst.add.f32.msk $0xffff, v2  }
0x1cf: {  	[tilespmem:s12+$0x8020] =	vst.add.f32.msk $0xffff, v3  }
0x1d0: {  	[tilespmem:s12+$0x8030] =	vst.add.f32.msk $0xffff, v4  }
0x1d1: {  	[tilespmem:s12+$0x8040] =	vst.add.f32.msk $0xffff, v5  }
0x1d2: {  	s13 =	simm.s32 $0x0;
	s14 =	simm.s32 $0x200;
	[tilespmem:s12+$0x8050] =	vst.add.f32.msk $0xffff, v6  }
.LBB2_22:
0x1d3: {  	s13 =	sadd.s32 $0x80, s13;
	[tilespmem:s12+$0x8060] =	vst.add.f32.msk $0xffff, v0;
	s12 =	sshra.s32 s14, $0x2  }
0x1d4: {  	v0 =	vld [tilespmem:s12+$0x70];
	p0 =	slt.u32 s13, $0x7F80  }
0x1d5: {  	v1 =	vld [tilespmem:s12+$0x0]  }
0x1d6: {  	v2 =	vld [tilespmem:s12+$0x10]  }
0x1d7: {  	v3 =	vld [tilespmem:s12+$0x20]  }
0x1d8: {  	v4 =	vld [tilespmem:s12+$0x30]  }
0x1d9: {  	[tilespmem:s12+$0x8070] =	vst.add.f32.msk $0xffff, v0  }
0x1da: {  	v5 =	vld [tilespmem:s12+$0x40]  }
0x1db: {  	v6 =	vld [tilespmem:s12+$0x50]  }
0x1dc: {  	v0 =	vld [tilespmem:s12+$0x60]  }
0x1dd: {  	[tilespmem:s12+$0x8000] =	vst.add.f32.msk $0xffff, v1  }
.Ltmp10:
0x1de: {  	[tilespmem:s12+$0x8010] =	vst.add.f32.msk $0xffff, v2;
	(pc) =	sbr.rel @p0 .LBB2_22-.Ltmp10, $4  }
0x1df: {  	[tilespmem:s12+$0x8020] =	vst.add.f32.msk $0xffff, v3  }
0x1e0: {  	[tilespmem:s12+$0x8030] =	vst.add.f32.msk $0xffff, v4  }
0x1e1: {  	[tilespmem:s12+$0x8040] =	vst.add.f32.msk $0xffff, v5  }
0x1e2: {  	s14 =	sadd.s32 $0x200, s14;
	[tilespmem:s12+$0x8050] =	vst.add.f32.msk $0xffff, v6  }
0x1e3: {  	[tilespmem:s12+$0x8060] =	vst.add.f32.msk $0xffff, v0;
	s14 =	simm.s32 $0x0  }
0x1e4: {  	[hbm4b:s23+s14] =	stream.linear.scatter [tilespmem:s10], [sflag:$0x1], $0x8000, $0x38;
	[tilespmem:$0x10000] =	vst v63  }
0x1e5: {  	_ =	swait.ge [sflag:s9], $0x8000  }
0x1e6: {  	[sflag:s9] =	ssyncset.done $0x0  }
0x1e7: {  	[sflag:s9] =	ssyncadd.s32 $0xFFFF8000  }
0x1e8: {  	[tilespmem:s10], [sflag:$0x1] =	stream.linear.gather [hbm4b:s24+s14], $0x8000, $0x38;
	[tilespmem:$0x10000] =	vst v63  }
0x1e9: {  	_ =	swait.ge [sflag:s9], $0x8000  }
0x1ea: {  	[sflag:s9] =	ssyncset.done $0x0  }
0x1eb: {  	s12 =	simm.s32 $0x0;
	[sflag:s9] =	ssyncadd.s32 $0xFFFF8000  }
0x1ec: {  	v0 =	vld [tilespmem:s12+$0x70]  }
0x1ed: {  	v1 =	vld [tilespmem:s12+$0x0]  }
0x1ee: {  	v2 =	vld [tilespmem:s12+$0x10]  }
0x1ef: {  	v3 =	vld [tilespmem:s12+$0x20]  }
0x1f0: {  	v4 =	vld [tilespmem:s12+$0x30]  }
0x1f1: {  	v5 =	vld [tilespmem:s12+$0x40]  }
0x1f2: {  	v6 =	vld [tilespmem:s12+$0x50]  }
0x1f3: {  	[tilespmem:s12+$0x8070] =	vst.add.f32.msk $0xffff, v0  }
0x1f4: {  	v0 =	vld [tilespmem:s12+$0x60]  }
0x1f5: {  	[tilespmem:s12+$0x8000] =	vst.add.f32.msk $0xffff, v1  }
0x1f6: {  	[tilespmem:s12+$0x8010] =	vst.add.f32.msk $0xffff, v2  }
0x1f7: {  	[tilespmem:s12+$0x8020] =	vst.add.f32.msk $0xffff, v3  }
0x1f8: {  	[tilespmem:s12+$0x8030] =	vst.add.f32.msk $0xffff, v4  }
0x1f9: {  	[tilespmem:s12+$0x8040] =	vst.add.f32.msk $0xffff, v5  }
0x1fa: {  	s13 =	simm.s32 $0x0;
	s14 =	simm.s32 $0x200;
	[tilespmem:s12+$0x8050] =	vst.add.f32.msk $0xffff, v6  }
.LBB2_24:
0x1fb: {  	s13 =	sadd.s32 $0x80, s13;
	[tilespmem:s12+$0x8060] =	vst.add.f32.msk $0xffff, v0;
	s12 =	sshra.s32 s14, $0x2  }
0x1fc: {  	v0 =	vld [tilespmem:s12+$0x70];
	p0 =	slt.u32 s13, $0x7F80  }
0x1fd: {  	v1 =	vld [tilespmem:s12+$0x0]  }
0x1fe: {  	v2 =	vld [tilespmem:s12+$0x10]  }
0x1ff: {  	v3 =	vld [tilespmem:s12+$0x20]  }
0x200: {  	v4 =	vld [tilespmem:s12+$0x30]  }
0x201: {  	[tilespmem:s12+$0x8070] =	vst.add.f32.msk $0xffff, v0  }
0x202: {  	v5 =	vld [tilespmem:s12+$0x40]  }
0x203: {  	v6 =	vld [tilespmem:s12+$0x50]  }
0x204: {  	v0 =	vld [tilespmem:s12+$0x60]  }
0x205: {  	[tilespmem:s12+$0x8000] =	vst.add.f32.msk $0xffff, v1  }
.Ltmp11:
0x206: {  	[tilespmem:s12+$0x8010] =	vst.add.f32.msk $0xffff, v2;
	(pc) =	sbr.rel @p0 .LBB2_24-.Ltmp11, $4  }
0x207: {  	[tilespmem:s12+$0x8020] =	vst.add.f32.msk $0xffff, v3  }
0x208: {  	[tilespmem:s12+$0x8030] =	vst.add.f32.msk $0xffff, v4  }
0x209: {  	[tilespmem:s12+$0x8040] =	vst.add.f32.msk $0xffff, v5  }
0x20a: {  	s14 =	sadd.s32 $0x200, s14;
	[tilespmem:s12+$0x8050] =	vst.add.f32.msk $0xffff, v6  }
0x20b: {  	[tilespmem:s12+$0x8060] =	vst.add.f32.msk $0xffff, v0;
	s14 =	simm.s32 $0x0  }
0x20c: {  	[hbm4b:s25+s14] =	stream.linear.scatter [tilespmem:s10], [sflag:$0x1], $0x8000, $0x38;
	[tilespmem:$0x10000] =	vst v63  }
0x20d: {  	_ =	swait.ge [sflag:s9], $0x8000  }
0x20e: {  	[sflag:s9] =	ssyncset.done $0x0  }
0x20f: {  	[sflag:s9] =	ssyncadd.s32 $0xFFFF8000  }
0x210: {  	[tilespmem:s14], [sflag:$0x1] =	stream.linear.gather [hbm4b:s28+s14], $0x8000, $0x38;
	[tilespmem:$0x10000] =	vst v63  }
0x211: {  	_ =	swait.ge [sflag:s9], $0x8000  }
0x212: {  	[sflag:s9] =	ssyncset.done $0x0  }
0x213: {  	[sflag:s9] =	ssyncadd.s32 $0xFFFF8000  }
0x214: {  	[tilespmem:s10], [sflag:$0x1] =	stream.linear.gather [hbm4b:s29+s14], $0x8000, $0x38;
	[tilespmem:$0x10000] =	vst v63  }
0x215: {  	_ =	swait.ge [sflag:s9], $0x8000  }
0x216: {  	[sflag:s9] =	ssyncset.done $0x0  }
0x217: {  	s12 =	simm.s32 $0x0;
	[sflag:s9] =	ssyncadd.s32 $0xFFFF8000  }
0x218: {  	v0 =	vld [tilespmem:s12+$0x70]  }
0x219: {  	v1 =	vld [tilespmem:s12+$0x0]  }
0x21a: {  	v2 =	vld [tilespmem:s12+$0x10]  }
0x21b: {  	v3 =	vld [tilespmem:s12+$0x20]  }
0x21c: {  	v4 =	vld [tilespmem:s12+$0x30]  }
0x21d: {  	v5 =	vld [tilespmem:s12+$0x40]  }
0x21e: {  	v6 =	vld [tilespmem:s12+$0x50]  }
0x21f: {  	[tilespmem:s12+$0x8070] =	vst.add.f32.msk $0xffff, v0  }
0x220: {  	v0 =	vld [tilespmem:s12+$0x60]  }
0x221: {  	[tilespmem:s12+$0x8000] =	vst.add.f32.msk $0xffff, v1  }
0x222: {  	[tilespmem:s12+$0x8010] =	vst.add.f32.msk $0xffff, v2  }
0x223: {  	[tilespmem:s12+$0x8020] =	vst.add.f32.msk $0xffff, v3  }
0x224: {  	[tilespmem:s12+$0x8030] =	vst.add.f32.msk $0xffff, v4  }
0x225: {  	[tilespmem:s12+$0x8040] =	vst.add.f32.msk $0xffff, v5  }
0x226: {  	s13 =	simm.s32 $0x0;
	s14 =	simm.s32 $0x200;
	[tilespmem:s12+$0x8050] =	vst.add.f32.msk $0xffff, v6  }
.LBB2_26:
0x227: {  	s13 =	sadd.s32 $0x80, s13;
	[tilespmem:s12+$0x8060] =	vst.add.f32.msk $0xffff, v0;
	s12 =	sshra.s32 s14, $0x2  }
0x228: {  	v0 =	vld [tilespmem:s12+$0x70];
	p0 =	slt.u32 s13, $0x7F80  }
0x229: {  	v1 =	vld [tilespmem:s12+$0x0]  }
0x22a: {  	v2 =	vld [tilespmem:s12+$0x10]  }
0x22b: {  	v3 =	vld [tilespmem:s12+$0x20]  }
0x22c: {  	v4 =	vld [tilespmem:s12+$0x30]  }
0x22d: {  	[tilespmem:s12+$0x8070] =	vst.add.f32.msk $0xffff, v0  }
0x22e: {  	v5 =	vld [tilespmem:s12+$0x40]  }
0x22f: {  	v6 =	vld [tilespmem:s12+$0x50]  }
0x230: {  	v0 =	vld [tilespmem:s12+$0x60]  }
0x231: {  	[tilespmem:s12+$0x8000] =	vst.add.f32.msk $0xffff, v1  }
.Ltmp12:
0x232: {  	[tilespmem:s12+$0x8010] =	vst.add.f32.msk $0xffff, v2;
	(pc) =	sbr.rel @p0 .LBB2_26-.Ltmp12, $4  }
0x233: {  	[tilespmem:s12+$0x8020] =	vst.add.f32.msk $0xffff, v3  }
0x234: {  	[tilespmem:s12+$0x8030] =	vst.add.f32.msk $0xffff, v4  }
0x235: {  	[tilespmem:s12+$0x8040] =	vst.add.f32.msk $0xffff, v5  }
0x236: {  	s14 =	sadd.s32 $0x200, s14;
	[tilespmem:s12+$0x8050] =	vst.add.f32.msk $0xffff, v6  }
0x237: {  	[tilespmem:s12+$0x8060] =	vst.add.f32.msk $0xffff, v0;
	s14 =	simm.s32 $0x0  }
0x238: {  	[hbm4b:s30+s14] =	stream.linear.scatter [tilespmem:s10], [sflag:$0x1], $0x8000, $0x38;
	[tilespmem:$0x10000] =	vst v63  }
0x239: {  	_ =	swait.ge [sflag:s9], $0x8000  }
0x23a: {  	[sflag:s9] =	ssyncset.done $0x0  }
0x23b: {  	[sflag:s9] =	ssyncadd.s32 $0xFFFF8000  }
0x23c: {  	[tilespmem:s10], [sflag:$0x1] =	stream.linear.gather [hbm4b:s31+s14], $0x8000, $0x38;
	[tilespmem:$0x10000] =	vst v63  }
0x23d: {  	_ =	swait.ge [sflag:s9], $0x8000  }
0x23e: {  	[sflag:s9] =	ssyncset.done $0x0  }
0x23f: {  	s12 =	simm.s32 $0x0;
	[sflag:s9] =	ssyncadd.s32 $0xFFFF8000  }
0x240: {  	v0 =	vld [tilespmem:s12+$0x70]  }
0x241: {  	v1 =	vld [tilespmem:s12+$0x0]  }
0x242: {  	v2 =	vld [tilespmem:s12+$0x10]  }
0x243: {  	v3 =	vld [tilespmem:s12+$0x20]  }
0x244: {  	v4 =	vld [tilespmem:s12+$0x30]  }
0x245: {  	v5 =	vld [tilespmem:s12+$0x40]  }
0x246: {  	v6 =	vld [tilespmem:s12+$0x50]  }
0x247: {  	[tilespmem:s12+$0x8070] =	vst.add.f32.msk $0xffff, v0  }
0x248: {  	v0 =	vld [tilespmem:s12+$0x60]  }
0x249: {  	[tilespmem:s12+$0x8000] =	vst.add.f32.msk $0xffff, v1  }
0x24a: {  	[tilespmem:s12+$0x8010] =	vst.add.f32.msk $0xffff, v2  }
0x24b: {  	[tilespmem:s12+$0x8020] =	vst.add.f32.msk $0xffff, v3  }
0x24c: {  	[tilespmem:s12+$0x8030] =	vst.add.f32.msk $0xffff, v4  }
0x24d: {  	[tilespmem:s12+$0x8040] =	vst.add.f32.msk $0xffff, v5  }
0x24e: {  	s13 =	simm.s32 $0x0;
	s14 =	simm.s32 $0x200;
	[tilespmem:s12+$0x8050] =	vst.add.f32.msk $0xffff, v6  }
.LBB2_28:
0x24f: {  	s13 =	sadd.s32 $0x80, s13;
	[tilespmem:s12+$0x8060] =	vst.add.f32.msk $0xffff, v0;
	s12 =	sshra.s32 s14, $0x2  }
0x250: {  	v0 =	vld [tilespmem:s12+$0x70];
	p0 =	slt.u32 s13, $0x7F80  }
0x251: {  	v1 =	vld [tilespmem:s12+$0x0]  }
0x252: {  	v2 =	vld [tilespmem:s12+$0x10]  }
0x253: {  	v3 =	vld [tilespmem:s12+$0x20]  }
0x254: {  	v4 =	vld [tilespmem:s12+$0x30]  }
0x255: {  	[tilespmem:s12+$0x8070] =	vst.add.f32.msk $0xffff, v0  }
0x256: {  	v5 =	vld [tilespmem:s12+$0x40]  }
0x257: {  	v6 =	vld [tilespmem:s12+$0x50]  }
0x258: {  	v0 =	vld [tilespmem:s12+$0x60]  }
0x259: {  	[tilespmem:s12+$0x8000] =	vst.add.f32.msk $0xffff, v1  }
.Ltmp13:
0x25a: {  	[tilespmem:s12+$0x8010] =	vst.add.f32.msk $0xffff, v2;
	(pc) =	sbr.rel @p0 .LBB2_28-.Ltmp13, $4  }
0x25b: {  	[tilespmem:s12+$0x8020] =	vst.add.f32.msk $0xffff, v3  }
0x25c: {  	[tilespmem:s12+$0x8030] =	vst.add.f32.msk $0xffff, v4  }
0x25d: {  	[tilespmem:s12+$0x8040] =	vst.add.f32.msk $0xffff, v5  }
0x25e: {  	s14 =	sadd.s32 $0x200, s14;
	[tilespmem:s12+$0x8050] =	vst.add.f32.msk $0xffff, v6  }
0x25f: {  	[tilespmem:s12+$0x8060] =	vst.add.f32.msk $0xffff, v0;
	s14 =	simm.s32 $0x0  }
0x260: {  	[hbm4b:s0+s14] =	stream.linear.scatter [tilespmem:s10], [sflag:$0x1], $0x8000, $0x38;
	[tilespmem:$0x10000] =	vst v63  }
0x261: {  	_ =	swait.ge [sflag:s9], $0x8000  }
0x262: {  	[sflag:s9] =	ssyncset.done $0x0  }
0x263: {  	[sflag:s9] =	ssyncadd.s32 $0xFFFF8000  }
0x264: {  	[tilespmem:s10], [sflag:$0x1] =	stream.linear.gather [hbm4b:s4+s14], $0x8000, $0x38;
	[tilespmem:$0x10000] =	vst v63  }
0x265: {  	_ =	swait.ge [sflag:s9], $0x8000  }
0x266: {  	[sflag:s9] =	ssyncset.done $0x0  }
0x267: {  	s12 =	simm.s32 $0x0;
	[sflag:s9] =	ssyncadd.s32 $0xFFFF8000  }
0x268: {  	v0 =	vld [tilespmem:s12+$0x70]  }
0x269: {  	v1 =	vld [tilespmem:s12+$0x0]  }
0x26a: {  	v2 =	vld [tilespmem:s12+$0x10]  }
0x26b: {  	v3 =	vld [tilespmem:s12+$0x20]  }
0x26c: {  	v4 =	vld [tilespmem:s12+$0x30]  }
0x26d: {  	v5 =	vld [tilespmem:s12+$0x40]  }
0x26e: {  	v6 =	vld [tilespmem:s12+$0x50]  }
0x26f: {  	[tilespmem:s12+$0x8070] =	vst.add.f32.msk $0xffff, v0  }
0x270: {  	v0 =	vld [tilespmem:s12+$0x60]  }
0x271: {  	[tilespmem:s12+$0x8000] =	vst.add.f32.msk $0xffff, v1  }
0x272: {  	[tilespmem:s12+$0x8010] =	vst.add.f32.msk $0xffff, v2  }
0x273: {  	[tilespmem:s12+$0x8020] =	vst.add.f32.msk $0xffff, v3  }
0x274: {  	[tilespmem:s12+$0x8030] =	vst.add.f32.msk $0xffff, v4  }
0x275: {  	[tilespmem:s12+$0x8040] =	vst.add.f32.msk $0xffff, v5  }
0x276: {  	s13 =	simm.s32 $0x0;
	s14 =	simm.s32 $0x200;
	[tilespmem:s12+$0x8050] =	vst.add.f32.msk $0xffff, v6  }
.LBB2_30:
0x277: {  	s13 =	sadd.s32 $0x80, s13;
	[tilespmem:s12+$0x8060] =	vst.add.f32.msk $0xffff, v0;
	s12 =	sshra.s32 s14, $0x2  }
0x278: {  	v0 =	vld [tilespmem:s12+$0x70];
	p0 =	slt.u32 s13, $0x7F80  }
0x279: {  	v1 =	vld [tilespmem:s12+$0x0]  }
0x27a: {  	v2 =	vld [tilespmem:s12+$0x10]  }
0x27b: {  	v3 =	vld [tilespmem:s12+$0x20]  }
0x27c: {  	v4 =	vld [tilespmem:s12+$0x30]  }
0x27d: {  	[tilespmem:s12+$0x8070] =	vst.add.f32.msk $0xffff, v0  }
0x27e: {  	v5 =	vld [tilespmem:s12+$0x40]  }
0x27f: {  	v6 =	vld [tilespmem:s12+$0x50]  }
0x280: {  	v0 =	vld [tilespmem:s12+$0x60]  }
0x281: {  	[tilespmem:s12+$0x8000] =	vst.add.f32.msk $0xffff, v1  }
.Ltmp14:
0x282: {  	[tilespmem:s12+$0x8010] =	vst.add.f32.msk $0xffff, v2;
	(pc) =	sbr.rel @p0 .LBB2_30-.Ltmp14, $4  }
0x283: {  	[tilespmem:s12+$0x8020] =	vst.add.f32.msk $0xffff, v3  }
0x284: {  	[tilespmem:s12+$0x8030] =	vst.add.f32.msk $0xffff, v4  }
0x285: {  	[tilespmem:s12+$0x8040] =	vst.add.f32.msk $0xffff, v5  }
0x286: {  	s14 =	sadd.s32 $0x200, s14;
	[tilespmem:s12+$0x8050] =	vst.add.f32.msk $0xffff, v6  }
0x287: {  	[tilespmem:s12+$0x8060] =	vst.add.f32.msk $0xffff, v0;
	s14 =	simm.s32 $0x0  }
0x288: {  	[hbm4b:s5+s14] =	stream.linear.scatter [tilespmem:s10], [sflag:$0x1], $0x8000, $0x38;
	[tilespmem:$0x10000] =	vst v63  }
0x289: {  	_ =	swait.ge [sflag:s9], $0x8000  }
0x28a: {  	[sflag:s9] =	ssyncset.done $0x0  }
0x28b: {  	[sflag:s9] =	ssyncadd.s32 $0xFFFF8000  }
0x28c: {  	[tilespmem:s10], [sflag:$0x1] =	stream.linear.gather [hbm4b:s6+s14], $0x8000, $0x38;
	[tilespmem:$0x10000] =	vst v63  }
0x28d: {  	_ =	swait.ge [sflag:s9], $0x8000  }
0x28e: {  	[sflag:s9] =	ssyncset.done $0x0  }
0x28f: {  	s12 =	simm.s32 $0x0;
	[sflag:s9] =	ssyncadd.s32 $0xFFFF8000  }
0x290: {  	v0 =	vld [tilespmem:s12+$0x70]  }
0x291: {  	v1 =	vld [tilespmem:s12+$0x0]  }
0x292: {  	v2 =	vld [tilespmem:s12+$0x10]  }
0x293: {  	v3 =	vld [tilespmem:s12+$0x20]  }
0x294: {  	v4 =	vld [tilespmem:s12+$0x30]  }
0x295: {  	v5 =	vld [tilespmem:s12+$0x40]  }
0x296: {  	v6 =	vld [tilespmem:s12+$0x50]  }
0x297: {  	[tilespmem:s12+$0x8070] =	vst.add.f32.msk $0xffff, v0  }
0x298: {  	v0 =	vld [tilespmem:s12+$0x60]  }
0x299: {  	[tilespmem:s12+$0x8000] =	vst.add.f32.msk $0xffff, v1  }
0x29a: {  	[tilespmem:s12+$0x8010] =	vst.add.f32.msk $0xffff, v2  }
0x29b: {  	[tilespmem:s12+$0x8020] =	vst.add.f32.msk $0xffff, v3  }
0x29c: {  	[tilespmem:s12+$0x8030] =	vst.add.f32.msk $0xffff, v4  }
0x29d: {  	[tilespmem:s12+$0x8040] =	vst.add.f32.msk $0xffff, v5  }
0x29e: {  	s13 =	simm.s32 $0x0;
	s14 =	simm.s32 $0x200;
	[tilespmem:s12+$0x8050] =	vst.add.f32.msk $0xffff, v6  }
.LBB2_32:
0x29f: {  	s13 =	sadd.s32 $0x80, s13;
	[tilespmem:s12+$0x8060] =	vst.add.f32.msk $0xffff, v0;
	s12 =	sshra.s32 s14, $0x2  }
0x2a0: {  	v0 =	vld [tilespmem:s12+$0x70];
	p0 =	slt.u32 s13, $0x7F80  }
0x2a1: {  	v1 =	vld [tilespmem:s12+$0x0]  }
0x2a2: {  	v2 =	vld [tilespmem:s12+$0x10]  }
0x2a3: {  	v3 =	vld [tilespmem:s12+$0x20]  }
0x2a4: {  	v4 =	vld [tilespmem:s12+$0x30]  }
0x2a5: {  	[tilespmem:s12+$0x8070] =	vst.add.f32.msk $0xffff, v0  }
0x2a6: {  	v5 =	vld [tilespmem:s12+$0x40]  }
0x2a7: {  	v6 =	vld [tilespmem:s12+$0x50]  }
0x2a8: {  	v0 =	vld [tilespmem:s12+$0x60]  }
0x2a9: {  	[tilespmem:s12+$0x8000] =	vst.add.f32.msk $0xffff, v1  }
.Ltmp15:
0x2aa: {  	[tilespmem:s12+$0x8010] =	vst.add.f32.msk $0xffff, v2;
	(pc) =	sbr.rel @p0 .LBB2_32-.Ltmp15, $4  }
0x2ab: {  	[tilespmem:s12+$0x8020] =	vst.add.f32.msk $0xffff, v3  }
0x2ac: {  	[tilespmem:s12+$0x8030] =	vst.add.f32.msk $0xffff, v4  }
0x2ad: {  	[tilespmem:s12+$0x8040] =	vst.add.f32.msk $0xffff, v5  }
0x2ae: {  	s14 =	sadd.s32 $0x200, s14;
	[tilespmem:s12+$0x8050] =	vst.add.f32.msk $0xffff, v6  }
0x2af: {  	s11 =	sadd.s32 $0x1, s11  }
0x2b0: {  	p0 =	sne.s32 s11, s8  }
.Ltmp16:
0x2b1: {  	[tilespmem:s12+$0x8060] =	vst.add.f32.msk $0xffff, v0;
	(pc) =	sbr.rel @p0 .LBB2_1-.Ltmp16, $4  }
0x2b2: {  	[hbm4b:s7+s1] =	stream.linear.scatter [tilespmem:s10], [sflag:$0x1], $0x8000, $0x38;
	[tilespmem:$0x10000] =	vst v63  }
0x2b3: {  	_ =	swait.ge [sflag:s9], $0x8000  }
0x2b4: {  	[sflag:s9] =	ssyncset.done $0x0  }
0x2b5: {  	[sflag:s9] =	ssyncadd.s32 $0xFFFF8000  }
0x2b6: {  	_ =	sfence.sel $0x180000  }
0x2b7: {  	[bflag:$0x0] =	sbarrier.arrive $0xFFFF  }
0x2b8: {  	_ =	strace $0x9000004D  }
0x2b9: {  	s0 =	stileid.u32;
	[bflag:$0x2] =	sbarrier.arrive $0xFFFF  }
0x2ba: {  	p0 =	sne.s32 s0, $0x0;
	s0 =	rddreg [dreg:$0x2]  }
0x2bb: {  	s0 =	sadd.s32 @!p0 $0x100000, s0  }
0x2bc: {  	[sflag:s0] =	ssyncadd.tile.s32 @!p0 $0x1;
	_ =	shalt  }
.Lfunc_end2:
_tile_overlayer_lowered:
.L_overlay_start_2:
0x2bd: {  	(tag) =	ssettag $0x2  }
0x2be: {  	s0 =	rddreg [dreg:$0x0];
	s2 =	stileid.u32  }
0x2bf: {  	s1 =	rddreg [dreg:$0x1];
	p0 =	sne.s32 s2, $0x0  }
0x2c0: {  	s3 =	rddreg [dreg:$0x2];
	[bflag:$0x3] =	sbarrier.arrive $0xFFFF;
	s2 =	simm.s32 @!p0 $0x1C01  }
0x2c1: {  	[timem:s3], [sflag:s2] =	dma.local @!p0 [hbm:s0], s1  }
0x2c2: {  	s0 =	simm.s32 @!p0 $0x1  }
0x2c3: {  	_ =	swait.ge @!p0 [sflag:s0], s1  }
0x2c4: {  	s1 =	ssub.s32 @!p0 $0x0, s1;
	[sflag:s0] =	ssyncset.done @!p0 $0x0  }
0x2c5: {  	[sflag:s0] =	ssyncadd.s32 @!p0 s1  }
0x2c6: {  	[bflag:$0x3] =	sbarrier.arrive $0xFFFF  }
0x2c7: {  	_ =	shalt  }

// kernel: sparse-core-data-format-call.1.cloned.1.call-start
scs
called_computation.1_lowered:
.L_overlay_start_0:
0x0: {  	s2 =	sld [smem:$0x3FD9]  }
0x1: {  	s3 =	sld [smem:$0x3FFE];
	_ =	sdelay $0x1  }
0x2: {  	s1 =	srdreg.scid  }
0x3: {  	s0 =	sand.u32 $0x1, s1  }
0x4: {  	s19 =	sshll.u32 s0, $0xA;
	s2 =	sadd.s32 s3, s2  }
0x5: {  	s2 =	sadd.s32 s2, s19  }
0x6: {  	[smem:$0x3FC6] =	sst s2  }
0x7: {  	_ = 	snop  }
0x8: {  	s20 =	sld [smem:$0x3FC9]  }
0x9: {  	s4 =	sld [smem:$0x3FD0];
	(tm) =	ssettm $0x1  }
0xa: {  	s21 =	sld [smem:$0x3FFB];
	_ =	sdelay $0x3  }
0xb: {  	_ =	strace s21  }
0xc: {  	s2 =	sld [smem:$0x3FFC];
	_ =	sdelay $0x3  }
0xd: {  	_ =	strace s2  }
0xe: {  	s2 =	sld [smem:$0x3FFD];
	_ =	sdelay $0x3  }
0xf: {  	_ =	strace s2  }
0x10: {  	_ =	strace $0x8FFFFFFF  }
0x11: {  	s22 =	sld [smem:$0x3FDB];
	_ =	sdelay $0x1  }
0x12: {  	s5 =	simm.s32 $_scs_section_size  }
0x13: {  	s6 =	simm.s32 $_size__tile_overlayer_lowered;
	s7 =	simm.s32 $_tile_overlayer_lowered  }
0x14: {  	s8 =	simm.s32 $0x1BFF;
	s23 =	sshll.u32 s7, $0x1;
	s5 =	sadd.s32 s5, s22  }
0x15: {  	s24 =	simm.s32 $0x0;
	s6 =	sshll.u32 s6, $0x1;
	s7 =	sadd.s32 s23, s5  }
0x16: {  	[timem:s24], [sflag:s8] =	dma.local [hbm:s7], s6  }
0x17: {  	_ =	swait.ge [sflag:s8], s6  }
0x18: {  	s6 =	ssub.s32 $0x0, s6;
	[sflag:s8] =	ssyncset.done $0x0  }
0x19: {  	[sflag:s8] =	ssyncadd.s32 s6;
	_ =	sdelay $0x1  }
0x1a: {  	s25 =	simm.s32 $0x1B8B  }
0x1b: {  	_ =	swait.ge [sflag:s25], $0x1  }
0x1c: {  	[sflag:s25] =	ssyncset.done $0x0  }
0x1d: {  	[sflag:s25] =	ssyncadd.s32 $0xFFFFFFFF  }
0x1e: {  	s6 =	sld [smem:$0x0]  }
0x1f: {  	s7 =	sand.u32 $0xFFFFFFFE, s1  }
0x20: {  	p0 =	sne.s32 s1, s7  }
0x21: {  	s7 =	sshll.u32 @p0 s7, $0xE  }
0x22: {  	s7 =	sadd.s32 @p0 $0x11B8D, s7;
	s8 =	sshll.u32 @p0 s6, $0x11  }
0x23: {  	s7 =	sor.u32 @p0 s8, s7  }
0x24: {  	[sflag:s7] =	ssyncadd.remote.s32 @p0 $0x1;
	_ =	sdelay $0x1  }
0x25: {  	s7 =	simm.s32 @p0 $0x1B8D  }
0x26: {  	_ =	swait.eq @p0 [sflag:s7], $0x1  }
0x27: {  	[sflag:s7] =	ssyncadd.s32 @p0 $0xFFFFFFFF  }
0x28: {  	s8 =	sshll.u32 @!p0 s1, $0xE  }
0x29: {  	s8 =	sor.u32 @!p0 $0x4000, s8;
	s7 =	simm.s32 @!p0 $0x1B8D  }
0x2a: {  	s6 =	sshll.u32 @!p0 s6, $0x11;
	s8 =	sadd.s32 @!p0 $0x11B8D, s8;
	_ =	swait.eq @!p0 [sflag:s7], $0x1  }
0x2b: {  	s6 =	sor.u32 @!p0 s6, s8;
	[sflag:s7] =	ssyncadd.s32 @!p0 $0xFFFFFFFF  }
0x2c: {  	s26 =	simm.s32 $0x1B8E;
	[sflag:s6] =	ssyncadd.remote.s32 @!p0 $0x1  }
0x2d: {  	s27 =	simm.s32 $execute0_lowered;
	[smem:$0x3FD2] =	sst s26  }
0x2e: {  	s6 =	sshll.u32 s27, $0x1;
	_ =	strace $0x80000049;
	[dreg:$0x1] =	wrdreg $0xFFFFFFFF  }
0x2f: {  	s28 =	simm.s32 $_size_execute0_lowered;
	s5 =	sadd.s32 s5, s6;
	[dreg:$0x0] =	wrdreg $0x0  }
0x30: {  	s6 =	sshll.u32 s28, $0x1;
	[dreg:$0x2] =	wrdreg s5  }
0x31: {  	[dreg:$0x3] =	wrdreg s6  }
0x32: {  	[dreg:$0x4] =	wrdreg $0xC0  }
0x33: {  	_ =	task [dreg:s24], $0x5FFFF  }
0x34: {  	[dreg:$0x1] =	wrdreg $0xFFFFFFFF  }
0x35: {  	[dreg:$0x0] =	wrdreg $0x60  }
0x36: {  	[dreg:$0x2] =	wrdreg s20  }
0x37: {  	[dreg:$0x3] =	wrdreg s4  }
0x38: {  	[dreg:$0x4] =	wrdreg $0xA  }
0x39: {  	_ =	task.clear_ibuf [dreg:s24], $0x5FFFF;
	_ =	strace $0x90000049  }
0x3a: {  	s29 =	simm.s32 $0xA;
	_ =	strace $0x8000004B  }
0x3b: {  	_ =	swait.ge [sflag:s29], $0x1  }
0x3c: {  	[sflag:s29] =	ssyncadd.s32 $0xFFFFFFFF  }
0x3d: {  	_ =	strace $0x9000004B  }
0x3e: {  	_ =	sfence  }
0x3f: {  	s30 =	sld [smem:$0x0];
	_ =	sdelay $0x2  }
0x40: {  	s31 =	sshll.u32 s1, $0xD;
	s1 =	sshrl.u32 s1, $0x2  }
0x41: {  	s4 =	sand.u32 $0x4000, s31;
	s1 =	sadd.s32 s1, s30  }
0x42: {  	s0 =	sor.u32 s4, s0;
	s1 =	sshll.u32 s1, $0x11  }
0x43: {  	s0 =	sor.u32 s1, s0  }
0x44: {  	s0 =	sadd.s32 $0x8F2B, s0  }
0x45: {  	[sflag:s0] =	ssyncadd.remote.s32 $0x1  }
0x46: {  	_ =	sfence.sel $0xFFFF  }
0x47: {  	[dreg:$0x0] =	wrdreg $0xFFFFFFFF;
	(pc) =	sbr.abs _section_cstart, $3  }
0x48: {  	[dreg:$0x1] =	wrdreg $0xFFFFFFFF  }
0x49: {  	_ =	task.clear_ibuf [dreg:s24], $0x2FFFF;
	_ =	strace $0x9FFFFFFF  }
0x4a: {  	(tm) =	ssettm $0x7FFFFFFF  }
0x4b: {  	_ =	shalt  }
tec
execute0_lowered:
.L_overlay_start_1:
0x0: {  	(tag) =	ssettag $0x1  }
0x1: {  	s0 =	srdreg.scid  }
0x2: {  	s1 =	sshll.u32 s0, $0x4  }
0x3: {  	s2 =	rddreg [dreg:$0x0];
	s0 =	stileid.u32;
	s1 =	sand.u32 $0x10, s1  }
0x4: {  	s4 =	rddreg [dreg:$0x1];
	s1 =	sor.u32 s0, s1  }
0x5: {  	s7 =	simm.s32 $0x1;
	s8 =	simm.s32 $0x2;
	s3 =	sshll.u32 s1, $0x1  }
0x6: {  	s9 =	simm.s32 $0x0;
	s12 =	simm.s32 $0x0;
	s6 =	ssub.s32 $0x800, s3  }
.Ltmp0:
0x7: {  	s11 =	simm.s32 $0x0;
	s5 =	sand.u32 $0x3E, s6;
	(pc) =	sbr.rel .LBB1_1-.Ltmp0, $4  }
0x8: {  	s1 =	rddreg [dreg:$0x2];
	_ =	strace $0x8000004A;
	p0 =	sne.s32 s5, $0x0  }
0x9: {  	s6 =	sshrl.u32 s6, $0x6;
	s5 =	simm.s32 $0x1;
	s7 =	simm.s32 @!p0 $0x0  }
0xa: {  	s10 =	smov.u32 s3;
	[sflag:s5] =	ssyncpa.u1 $0x0;
	s6 =	sadd.s32 s7, s6  }
0xb: {  	[sflag:s8] =	ssyncpa.u1 $0x0;
	s8 =	simm.s32 $0x0;
	s7 =	sadd.s32 $0x1, s6  }
.LBB1_9:
0xc: {  	s14 =	sadd.s32 $0x40, s10  }
0xd: {  	p1 =	sgt.s32 s14, $0x7FF  }
0xe: {  	s14 =	smov.u32 @p1 s3;
	p1 =	sne.s32 s11, s7  }
.Ltmp1:
0xf: {  	p0 =	slt.u32 s11, $0x2;
	(pc) =	sbr.rel @!p1 .LBB1_10-.Ltmp1, $4  }
0x10: {  	s13 =	simm.s32 @!p0 $0x2  }
0x11: {  	s15 =	sadd.s32 $0x1, s11;
	_ =	swait.ge @!p0 [sflag:s13], $0x4000  }
0x12: {  	s12 =	smov.u32 s10;
	s9 =	sadd.s32 $0x4000, s9;
	[sflag:s13] =	ssyncset.done @!p0 $0x0  }
0x13: {  	s11 =	smov.u32 s15;
	s10 =	smov.u32 s14;
	[sflag:s13] =	ssyncadd.s32 @!p0 $0xFFFFC000  }
.LBB1_1:
0x14: {  	p0 =	sge.u32 s11, s6  }
0x15: {  	s13 =	sxor.u32 @!p0 $0xFFFFFFFF, s11  }
0x16: {  	s31 =	sadd.s32 $0xFFFFFFFF, s11;
	s14 =	sshll.u32 @!p0 s10, $0xA;
	s13 =	sshll.u32 @!p0 s13, $0xE  }
0x17: {  	s15 =	simm.s32 @!p0 $0x0;
	s14 =	sadd.s32 @!p0 s2, s14;
	s13 =	sand.u32 @!p0 $0x4000, s13  }
0x18: {  	[tilespmem:s13], [sflag:$0x1] =	stream.linear.gather @!p0 [hbm4b:s14+s15], $0x4000, $0x38;
	[tilespmem:$0x10000] =	vst v63  }
0x19: {  	p0 =	sge.u32 s31, s6  }
.Ltmp2:
0x1a: {  	_ = 	snop;
	(pc) =	sbr.rel @p0 .LBB1_9-.Ltmp2, $1  }
0x1b: {  	_ =	sdelay $0x3  }
0x1c: {  	s13 =	sshll.u32 s9, $0x2  }
0x1d: {  	_ =	swait.ge [sflag:s5], $0x4000;
	s14 =	sshll.u32 s11, $0xE;
	s16 =	simm.s32 $0x0  }
0x1e: {  	p1 =	por $0x1, $0x1;
	s13 =	sand.u32 $0x10000, s13;
	[sflag:s5] =	ssyncset.done $0x0  }
0x1f: {  	s14 =	sand.u32 $0x4000, s14;
	s15 =	sshrl.u32 s13, $0x2;
	[sflag:s5] =	ssyncadd.s32 $0xFFFFC000  }
0x20: {  	s13 =	sor.u32 $0x8000, s14;
	s14 =	sadd.s32 $0x8040, s15;
	s15 =	sadd.s32 $0x40, s15  }
.LBB1_3:
0x21: {  	s16 =	sshll.u32 s16, $0x2  }
0x22: {  	p0 =	por p1, p1;
	s17 =	sshra.s32 s16, $0x2  }
0x23: {  	s18 =	simm.s32 $0x0;
	s16 =	sadd.s32 s17, s14;
	s17 =	sadd.s32 s17, s15  }
.LBB1_4:
0x24: {  	v0 =	vmov s17;
	_ =	sdelay $0x3  }
0x25: {  	s20 =	simm.s32 $0x0  }
0x26: {  	v6 =	vld.idx.msk [tilespmem:v0+s20+$0x30 ss:$0x1], $0xffff  }
0x27: {  	v7 =	vld.idx.msk [tilespmem:v0+s20+$0xFFFFFFC0 ss:$0x1], $0xffff  }
0x28: {  	v5 =	vld.idx.msk [tilespmem:v0+s20+$0xFFFFFFD0 ss:$0x1], $0xffff  }
0x29: {  	v4 =	vld.idx.msk [tilespmem:v0+s20+$0xFFFFFFE0 ss:$0x1], $0xffff  }
0x2a: {  	v3 =	vld.idx.msk [tilespmem:v0+s20+$0xFFFFFFF0 ss:$0x1], $0xffff  }
0x2b: {  	v1 =	vld.idx.msk [tilespmem:v0+s20+$0x0 ss:$0x1], $0xffff  }
0x2c: {  	v2 =	vld.idx.msk [tilespmem:v0+s20+$0x10 ss:$0x1], $0xffff;
	[tilespmem:s16+$0x30] =	vst v6  }
0x2d: {  	s19 =	simm.s32 $0x80;
	s21 =	simm.s32 $0x400;
	[tilespmem:s16+$0xFFFFFFC0] =	vst v7;
	v6 =	vld.idx.msk [tilespmem:v0+s20+$0x20 ss:$0x1], $0xffff;
	s20 =	smov.u32 s16  }
.LBB1_5:
0x2e: {  	p1 =	sne.s32 s21, $0xE00;
	v7 =	vld.idx.msk [tilespmem:v0+s19+$0x30 ss:$0x1], $0xffff;
	[tilespmem:s20+$0xFFFFFFD0] =	vst v5  }
0x2f: {  	v8 =	vld.idx.msk [tilespmem:v0+s19+$0xFFFFFFC0 ss:$0x1], $0xffff;
	[tilespmem:s20+$0xFFFFFFE0] =	vst v4  }
0x30: {  	v5 =	vld.idx.msk [tilespmem:v0+s19+$0xFFFFFFD0 ss:$0x1], $0xffff;
	[tilespmem:s20+$0xFFFFFFF0] =	vst v3  }
.Ltmp3:
0x31: {  	v4 =	vld.idx.msk [tilespmem:v0+s19+$0xFFFFFFE0 ss:$0x1], $0xffff;
	[tilespmem:s20+$0x0] =	vst v1;
	(pc) =	sbr.rel @p1 .LBB1_5-.Ltmp3, $4  }
0x32: {  	v3 =	vld.idx.msk [tilespmem:v0+s19+$0xFFFFFFF0 ss:$0x1], $0xffff;
	[tilespmem:s20+$0x10] =	vst v2  }
0x33: {  	v1 =	vld.idx.msk [tilespmem:v0+s19+$0x0 ss:$0x1], $0xffff;
	[tilespmem:s20+$0x20] =	vst v6;
	s20 =	sadd.s32 $0x400, s20  }
0x34: {  	v2 =	vld.idx.msk [tilespmem:v0+s19+$0x10 ss:$0x1], $0xffff;
	[tilespmem:s20+$0x30] =	vst v7  }
0x35: {  	[tilespmem:s20+$0xFFFFFFC0] =	vst v8;
	v6 =	vld.idx.msk [tilespmem:v0+s19+$0x20 ss:$0x1], $0xffff;
	s19 =	sshra.s32 s21, $0x2;
	s21 =	sadd.s32 $0x200, s21  }
0x36: {  	_ =	sdelay $0x2  }
0x37: {  	[tilespmem:s20+$0xFFFFFFD0] =	vst v5  }
0x38: {  	v56 =	vld.idx.msk [tilespmem:v0+s19+$0x30 ss:$0x1], $0xffff;
	[tilespmem:s20+$0xFFFFFFE0] =	vst v4  }
0x39: {  	v57 =	vld.idx.msk [tilespmem:v0+s19+$0xFFFFFFC0 ss:$0x1], $0xffff;
	[tilespmem:s20+$0xFFFFFFF0] =	vst v3  }
0x3a: {  	v58 =	vld.idx.msk [tilespmem:v0+s19+$0xFFFFFFD0 ss:$0x1], $0xffff;
	[tilespmem:s20+$0x0] =	vst v1  }
0x3b: {  	v59 =	vld.idx.msk [tilespmem:v0+s19+$0xFFFFFFE0 ss:$0x1], $0xffff;
	[tilespmem:s20+$0x10] =	vst v2  }
0x3c: {  	v60 =	vld.idx.msk [tilespmem:v0+s19+$0xFFFFFFF0 ss:$0x1], $0xffff;
	s31 =	sadd.s32 $0x400, s20;
	[tilespmem:s20+$0x20] =	vst v6  }
0x3d: {  	v61 =	vld.idx.msk [tilespmem:v0+s19+$0x0 ss:$0x1], $0xffff;
	[tilespmem:s31+$0x30] =	vst v56  }
0x3e: {  	v62 =	vld.idx.msk [tilespmem:v0+s19+$0x10 ss:$0x1], $0xffff;
	s18 =	sadd.s32 $0x1, s18;
	[tilespmem:s31+$0xFFFFFFC0] =	vst v57  }
0x3f: {  	v63 =	vld.idx.msk [tilespmem:v0+s19+$0x20 ss:$0x1], $0xffff;
	p1 =	sne.s32 s18, $0x8;
	[tilespmem:s31+$0xFFFFFFD0] =	vst v58  }
.Ltmp4:
0x40: {  	[tilespmem:s31+$0xFFFFFFE0] =	vst v59;
	(pc) =	sbr.rel @p1 .LBB1_4-.Ltmp4, $4  }
0x41: {  	[tilespmem:s31+$0xFFFFFFF0] =	vst v60  }
0x42: {  	[tilespmem:s31+$0x0] =	vst v61  }
0x43: {  	[tilespmem:s31+$0x10] =	vst v62  }
0x44: {  	s16 =	sadd.s32 $0x80, s16;
	s17 =	sadd.s32 $0x400, s17;
	[tilespmem:s31+$0x20] =	vst v63  }
.Ltmp5:
0x45: {  	(pc) =	sbr.rel @p0 .LBB1_3-.Ltmp5, $2  }
0x46: {  	_ =	sdelay $0x2  }
0x47: {  	s16 =	simm.s32 $0x2000;
	p1 =	por $0x0, $0x0  }
.Ltmp6:
0x48: {  	(pc) =	sbr.rel .LBB1_9-.Ltmp6, $4  }
0x49: {  	_ = 	snop  }
0x4a: {  	s12 =	sshll.u32 s12, $0xA  }
0x4b: {  	s12 =	sadd.s32 s4, s12  }
0x4c: {  	[hbm4b:s12+s8] =	stream.linear.scatter [tilespmem:s13], [sflag:$0x2], $0x4000, $0x38;
	[tilespmem:$0x10000] =	vst v63  }
.LBB1_10:
0x4d: {  	_ =	sfence.sel $0x180000  }
0x4e: {  	s2 =	simm.s32 $0x1;
	[bflag:$0x0] =	sbarrier.arrive $0xFFFF  }
0x4f: {  	s31 =	simm.s32 $0x2;
	[sflag:s2] =	ssyncpa.u1 $0x1  }
0x50: {  	[sflag:s31] =	ssyncpa.u1 $0x1  }
0x51: {  	p0 =	sne.s32 s0, $0x0;
	_ =	strace $0x9000004A  }
0x52: {  	s0 =	sadd.s32 @!p0 $0x100000, s1;
	[bflag:$0x2] =	sbarrier.arrive $0xFFFF  }
0x53: {  	[sflag:s0] =	ssyncadd.tile.s32 @!p0 $0x1;
	_ =	shalt  }
.Lfunc_end1:
_tile_overlayer_lowered:
.L_overlay_start_2:
0x54: {  	(tag) =	ssettag $0x2  }
0x55: {  	s0 =	rddreg [dreg:$0x0];
	s2 =	stileid.u32  }
0x56: {  	s1 =	rddreg [dreg:$0x1];
	p0 =	sne.s32 s2, $0x0  }
0x57: {  	s3 =	rddreg [dreg:$0x2];
	[bflag:$0x3] =	sbarrier.arrive $0xFFFF;
	s2 =	simm.s32 @!p0 $0x1C01  }
0x58: {  	[timem:s3], [sflag:s2] =	dma.local @!p0 [hbm:s0], s1  }
0x59: {  	s0 =	simm.s32 @!p0 $0x1  }
0x5a: {  	_ =	swait.ge @!p0 [sflag:s0], s1  }
0x5b: {  	s1 =	ssub.s32 @!p0 $0x0, s1;
	[sflag:s0] =	ssyncset.done @!p0 $0x0  }
0x5c: {  	[sflag:s0] =	ssyncadd.s32 @!p0 s1  }
0x5d: {  	[bflag:$0x3] =	sbarrier.arrive $0xFFFF  }
0x5e: {  	_ =	shalt  }

// kernel: sparse-core-data-format-call.cloned.1.call-start
scs
called_computation_lowered:
.L_overlay_start_0:
0x0: {  	s2 =	sld [smem:$0x3FD9]  }
0x1: {  	s3 =	sld [smem:$0x3FFE];
	_ =	sdelay $0x1  }
0x2: {  	s1 =	srdreg.scid  }
0x3: {  	s0 =	sand.u32 $0x1, s1  }
0x4: {  	s18 =	sshll.u32 s0, $0xA;
	s2 =	sadd.s32 s3, s2  }
0x5: {  	s2 =	sadd.s32 s2, s18  }
0x6: {  	[smem:$0x3FC6] =	sst s2  }
0x7: {  	_ = 	snop  }
0x8: {  	s2 =	sld [smem:$0x3FC8];
	(tm) =	ssettm $0x1  }
0x9: {  	s19 =	sld [smem:$0x3FFB];
	_ =	sdelay $0x3  }
0xa: {  	_ =	strace s19  }
0xb: {  	s3 =	sld [smem:$0x3FFC];
	_ =	sdelay $0x3  }
0xc: {  	_ =	strace s3  }
0xd: {  	s3 =	sld [smem:$0x3FFD];
	_ =	sdelay $0x3  }
0xe: {  	_ =	strace s3  }
0xf: {  	_ =	strace $0x8FFFFFFF  }
0x10: {  	s20 =	sld [smem:$0x3FDB];
	_ =	sdelay $0x1  }
0x11: {  	s4 =	simm.s32 $_scs_section_size  }
0x12: {  	s5 =	simm.s32 $_size__tile_overlayer_lowered;
	s6 =	simm.s32 $_tile_overlayer_lowered  }
0x13: {  	s23 =	simm.s32 $0x1BFF;
	s22 =	sshll.u32 s6, $0x1;
	s3 =	sadd.s32 s4, s20  }
0x14: {  	s7 =	simm.s32 $0x0;
	s21 =	sshll.u32 s5, $0x1;
	s5 =	sadd.s32 s22, s3  }
0x15: {  	[timem:s7], [sflag:s23] =	dma.local [hbm:s5], s21  }
0x16: {  	_ =	swait.ge [sflag:s23], s21  }
0x17: {  	s4 =	ssub.s32 $0x0, s21;
	[sflag:s23] =	ssyncset.done $0x0  }
0x18: {  	[sflag:s23] =	ssyncadd.s32 s4;
	_ =	sdelay $0x1  }
0x19: {  	s24 =	simm.s32 $0x1B8B  }
0x1a: {  	_ =	swait.ge [sflag:s24], $0x1  }
0x1b: {  	[sflag:s24] =	ssyncset.done $0x0  }
0x1c: {  	s26 =	simm.s32 $0x1B8E;
	s25 =	sld [smem:$0x3FFE];
	[sflag:s24] =	ssyncadd.s32 $0xFFFFFFFF  }
0x1d: {  	s27 =	simm.s32 $execute0_lowered;
	[smem:$0x3FD2] =	sst s26  }
0x1e: {  	s5 =	sshll.u32 s27, $0x1;
	_ =	strace $0x80000046;
	[dreg:$0x1] =	wrdreg $0xFFFFFFFF  }
0x1f: {  	s28 =	simm.s32 $_size_execute0_lowered;
	s3 =	sadd.s32 s3, s5;
	[dreg:$0x0] =	wrdreg $0x0  }
0x20: {  	s5 =	sshll.u32 s28, $0x1;
	[dreg:$0x2] =	wrdreg s3  }
0x21: {  	[dreg:$0x3] =	wrdreg s5  }
0x22: {  	[dreg:$0x4] =	wrdreg $0xC0  }
0x23: {  	_ =	task [dreg:s7], $0x5FFFF  }
0x24: {  	[dreg:$0x1] =	wrdreg $0xFFFFFFFF  }
0x25: {  	[dreg:$0x0] =	wrdreg $0x60  }
0x26: {  	[dreg:$0x2] =	wrdreg s2  }
0x27: {  	[dreg:$0x3] =	wrdreg s25  }
0x28: {  	[dreg:$0x4] =	wrdreg $0x9  }
0x29: {  	_ =	task.clear_ibuf [dreg:s7], $0x5FFFF;
	_ =	strace $0x90000046  }
0x2a: {  	s29 =	simm.s32 $0x9;
	_ =	strace $0x80000048  }
0x2b: {  	_ =	swait.ge [sflag:s29], $0x1  }
0x2c: {  	[sflag:s29] =	ssyncadd.s32 $0xFFFFFFFF  }
0x2d: {  	_ =	strace $0x90000048  }
0x2e: {  	_ =	sfence  }
0x2f: {  	s30 =	sld [smem:$0x0];
	_ =	sdelay $0x2  }
0x30: {  	s31 =	sshll.u32 s1, $0xD;
	s1 =	sshrl.u32 s1, $0x2  }
0x31: {  	s3 =	sand.u32 $0x4000, s31;
	s1 =	sadd.s32 s1, s30  }
0x32: {  	s0 =	sor.u32 s3, s0;
	s1 =	sshll.u32 s1, $0x11  }
0x33: {  	s0 =	sor.u32 s1, s0  }
0x34: {  	s0 =	sadd.s32 $0x8F2B, s0  }
0x35: {  	[sflag:s0] =	ssyncadd.remote.s32 $0x1  }
0x36: {  	_ =	sfence.sel $0xFFFF  }
0x37: {  	[dreg:$0x0] =	wrdreg $0xFFFFFFFF;
	(pc) =	sbr.abs _section_cstart, $3  }
0x38: {  	[dreg:$0x1] =	wrdreg $0xFFFFFFFF  }
0x39: {  	_ =	task.clear_ibuf [dreg:s7], $0x2FFFF;
	_ =	strace $0x9FFFFFFF  }
0x3a: {  	(tm) =	ssettm $0x7FFFFFFF  }
0x3b: {  	_ =	shalt  }
tec
execute0_lowered:
.L_overlay_start_1:
0x0: {  	(tag) =	ssettag $0x1  }
0x1: {  	s0 =	srdreg.scid  }
0x2: {  	s1 =	sshll.u32 s0, $0x4  }
0x3: {  	s2 =	rddreg [dreg:$0x0];
	s0 =	stileid.u32;
	s1 =	sand.u32 $0x10, s1  }
0x4: {  	s4 =	rddreg [dreg:$0x1];
	s7 =	simm.s32 $0x1;
	s1 =	sor.u32 s0, s1  }
0x5: {  	s8 =	simm.s32 $0x2;
	s9 =	simm.s32 $0x0;
	s3 =	sshll.u32 s1, $0x1  }
0x6: {  	s12 =	simm.s32 $0x0;
	s11 =	simm.s32 $0x0;
	s6 =	ssub.s32 $0x400, s3  }
.Ltmp0:
0x7: {  	s4 =	sadd.s32 $0xC00, s4;
	s5 =	sand.u32 $0x3E, s6;
	(pc) =	sbr.rel .LBB1_1-.Ltmp0, $4  }
0x8: {  	s1 =	rddreg [dreg:$0x2];
	_ =	strace $0x80000047;
	p0 =	sne.s32 s5, $0x0  }
0x9: {  	s6 =	sshrl.u32 s6, $0x6;
	s5 =	simm.s32 $0x1;
	s7 =	simm.s32 @!p0 $0x0  }
0xa: {  	s10 =	smov.u32 s3;
	[sflag:s5] =	ssyncpa.u1 $0x0;
	s6 =	sadd.s32 s7, s6  }
0xb: {  	[sflag:s8] =	ssyncpa.u1 $0x0;
	s8 =	simm.s32 $0x0;
	s7 =	sadd.s32 $0x1, s6  }
.LBB1_9:
0xc: {  	s14 =	sadd.s32 $0x40, s10  }
0xd: {  	p1 =	sgt.s32 s14, $0x3FF  }
0xe: {  	s14 =	smov.u32 @p1 s3;
	p1 =	sne.s32 s11, s7  }
.Ltmp1:
0xf: {  	p0 =	slt.u32 s11, $0x2;
	(pc) =	sbr.rel @!p1 .LBB1_10-.Ltmp1, $4  }
0x10: {  	s13 =	simm.s32 @!p0 $0x2  }
0x11: {  	s15 =	sadd.s32 $0x1, s11;
	_ =	swait.ge @!p0 [sflag:s13], $0x4000  }
0x12: {  	s12 =	smov.u32 s10;
	s9 =	sadd.s32 $0x4000, s9;
	[sflag:s13] =	ssyncset.done @!p0 $0x0  }
0x13: {  	s11 =	smov.u32 s15;
	s10 =	smov.u32 s14;
	[sflag:s13] =	ssyncadd.s32 @!p0 $0xFFFFC000  }
.LBB1_1:
0x14: {  	p0 =	sge.u32 s11, s6  }
0x15: {  	s13 =	sxor.u32 @!p0 $0xFFFFFFFF, s11  }
0x16: {  	s31 =	sadd.s32 $0xFFFFFFFF, s11;
	s14 =	sshll.u32 @!p0 s10, $0xA;
	s13 =	sshll.u32 @!p0 s13, $0xE  }
0x17: {  	s15 =	simm.s32 @!p0 $0x0;
	s14 =	sadd.s32 @!p0 s2, s14;
	s13 =	sand.u32 @!p0 $0x4000, s13  }
0x18: {  	[tilespmem:s13], [sflag:$0x1] =	stream.linear.gather @!p0 [hbm4b:s14+s15], $0x4000, $0x38;
	[tilespmem:$0x10000] =	vst v63  }
0x19: {  	p0 =	sge.u32 s31, s6  }
.Ltmp2:
0x1a: {  	_ = 	snop;
	(pc) =	sbr.rel @p0 .LBB1_9-.Ltmp2, $1  }
0x1b: {  	_ =	sdelay $0x3  }
0x1c: {  	s13 =	sshll.u32 s9, $0x2  }
0x1d: {  	_ =	swait.ge [sflag:s5], $0x4000;
	s14 =	sshll.u32 s11, $0xE;
	s16 =	simm.s32 $0x0  }
0x1e: {  	p1 =	por $0x1, $0x1;
	s13 =	sand.u32 $0x10000, s13;
	[sflag:s5] =	ssyncset.done $0x0  }
0x1f: {  	s14 =	sand.u32 $0x4000, s14;
	s15 =	sshrl.u32 s13, $0x2;
	[sflag:s5] =	ssyncadd.s32 $0xFFFFC000  }
0x20: {  	s13 =	sor.u32 $0x8000, s14;
	s14 =	sadd.s32 $0x8040, s15;
	s15 =	sadd.s32 $0x40, s15  }
.LBB1_3:
0x21: {  	s16 =	sshll.u32 s16, $0x2  }
0x22: {  	p0 =	por p1, p1;
	s17 =	sshra.s32 s16, $0x2  }
0x23: {  	s18 =	simm.s32 $0x0;
	s16 =	sadd.s32 s17, s14;
	s17 =	sadd.s32 s17, s15  }
.LBB1_4:
0x24: {  	v0 =	vmov s17;
	_ =	sdelay $0x3  }
0x25: {  	s20 =	simm.s32 $0x0  }
0x26: {  	v6 =	vld.idx.msk [tilespmem:v0+s20+$0x30 ss:$0x1], $0xffff  }
0x27: {  	v7 =	vld.idx.msk [tilespmem:v0+s20+$0xFFFFFFC0 ss:$0x1], $0xffff  }
0x28: {  	v5 =	vld.idx.msk [tilespmem:v0+s20+$0xFFFFFFD0 ss:$0x1], $0xffff  }
0x29: {  	v4 =	vld.idx.msk [tilespmem:v0+s20+$0xFFFFFFE0 ss:$0x1], $0xffff  }
0x2a: {  	v3 =	vld.idx.msk [tilespmem:v0+s20+$0xFFFFFFF0 ss:$0x1], $0xffff  }
0x2b: {  	v1 =	vld.idx.msk [tilespmem:v0+s20+$0x0 ss:$0x1], $0xffff  }
0x2c: {  	v2 =	vld.idx.msk [tilespmem:v0+s20+$0x10 ss:$0x1], $0xffff;
	[tilespmem:s16+$0x30] =	vst v6  }
0x2d: {  	s19 =	simm.s32 $0x80;
	s21 =	simm.s32 $0x400;
	[tilespmem:s16+$0xFFFFFFC0] =	vst v7;
	v6 =	vld.idx.msk [tilespmem:v0+s20+$0x20 ss:$0x1], $0xffff;
	s20 =	smov.u32 s16  }
.LBB1_5:
0x2e: {  	p1 =	sne.s32 s21, $0xE00;
	v7 =	vld.idx.msk [tilespmem:v0+s19+$0x30 ss:$0x1], $0xffff;
	[tilespmem:s20+$0xFFFFFFD0] =	vst v5  }
0x2f: {  	v8 =	vld.idx.msk [tilespmem:v0+s19+$0xFFFFFFC0 ss:$0x1], $0xffff;
	[tilespmem:s20+$0xFFFFFFE0] =	vst v4  }
0x30: {  	v5 =	vld.idx.msk [tilespmem:v0+s19+$0xFFFFFFD0 ss:$0x1], $0xffff;
	[tilespmem:s20+$0xFFFFFFF0] =	vst v3  }
.Ltmp3:
0x31: {  	v4 =	vld.idx.msk [tilespmem:v0+s19+$0xFFFFFFE0 ss:$0x1], $0xffff;
	[tilespmem:s20+$0x0] =	vst v1;
	(pc) =	sbr.rel @p1 .LBB1_5-.Ltmp3, $4  }
0x32: {  	v3 =	vld.idx.msk [tilespmem:v0+s19+$0xFFFFFFF0 ss:$0x1], $0xffff;
	[tilespmem:s20+$0x10] =	vst v2  }
0x33: {  	v1 =	vld.idx.msk [tilespmem:v0+s19+$0x0 ss:$0x1], $0xffff;
	[tilespmem:s20+$0x20] =	vst v6;
	s20 =	sadd.s32 $0x400, s20  }
0x34: {  	v2 =	vld.idx.msk [tilespmem:v0+s19+$0x10 ss:$0x1], $0xffff;
	[tilespmem:s20+$0x30] =	vst v7  }
0x35: {  	[tilespmem:s20+$0xFFFFFFC0] =	vst v8;
	v6 =	vld.idx.msk [tilespmem:v0+s19+$0x20 ss:$0x1], $0xffff;
	s19 =	sshra.s32 s21, $0x2;
	s21 =	sadd.s32 $0x200, s21  }
0x36: {  	_ =	sdelay $0x2  }
0x37: {  	[tilespmem:s20+$0xFFFFFFD0] =	vst v5  }
0x38: {  	v56 =	vld.idx.msk [tilespmem:v0+s19+$0x30 ss:$0x1], $0xffff;
	[tilespmem:s20+$0xFFFFFFE0] =	vst v4  }
0x39: {  	v57 =	vld.idx.msk [tilespmem:v0+s19+$0xFFFFFFC0 ss:$0x1], $0xffff;
	[tilespmem:s20+$0xFFFFFFF0] =	vst v3  }
0x3a: {  	v58 =	vld.idx.msk [tilespmem:v0+s19+$0xFFFFFFD0 ss:$0x1], $0xffff;
	[tilespmem:s20+$0x0] =	vst v1  }
0x3b: {  	v59 =	vld.idx.msk [tilespmem:v0+s19+$0xFFFFFFE0 ss:$0x1], $0xffff;
	[tilespmem:s20+$0x10] =	vst v2  }
0x3c: {  	v60 =	vld.idx.msk [tilespmem:v0+s19+$0xFFFFFFF0 ss:$0x1], $0xffff;
	s31 =	sadd.s32 $0x400, s20;
	[tilespmem:s20+$0x20] =	vst v6  }
0x3d: {  	v61 =	vld.idx.msk [tilespmem:v0+s19+$0x0 ss:$0x1], $0xffff;
	[tilespmem:s31+$0x30] =	vst v56  }
0x3e: {  	v62 =	vld.idx.msk [tilespmem:v0+s19+$0x10 ss:$0x1], $0xffff;
	s18 =	sadd.s32 $0x1, s18;
	[tilespmem:s31+$0xFFFFFFC0] =	vst v57  }
0x3f: {  	v63 =	vld.idx.msk [tilespmem:v0+s19+$0x20 ss:$0x1], $0xffff;
	p1 =	sne.s32 s18, $0x8;
	[tilespmem:s31+$0xFFFFFFD0] =	vst v58  }
.Ltmp4:
0x40: {  	[tilespmem:s31+$0xFFFFFFE0] =	vst v59;
	(pc) =	sbr.rel @p1 .LBB1_4-.Ltmp4, $4  }
0x41: {  	[tilespmem:s31+$0xFFFFFFF0] =	vst v60  }
0x42: {  	[tilespmem:s31+$0x0] =	vst v61  }
0x43: {  	[tilespmem:s31+$0x10] =	vst v62  }
0x44: {  	s16 =	sadd.s32 $0x80, s16;
	s17 =	sadd.s32 $0x400, s17;
	[tilespmem:s31+$0x20] =	vst v63  }
.Ltmp5:
0x45: {  	(pc) =	sbr.rel @p0 .LBB1_3-.Ltmp5, $2  }
0x46: {  	_ =	sdelay $0x2  }
0x47: {  	s16 =	simm.s32 $0x2000;
	p1 =	por $0x0, $0x0  }
.Ltmp6:
0x48: {  	(pc) =	sbr.rel .LBB1_9-.Ltmp6, $4  }
0x49: {  	_ = 	snop  }
0x4a: {  	s12 =	sshll.u32 s12, $0xA  }
0x4b: {  	s12 =	sadd.s32 s4, s12  }
0x4c: {  	[hbm4b:s12+s8] =	stream.linear.scatter [tilespmem:s13], [sflag:$0x2], $0x4000, $0x38;
	[tilespmem:$0x10000] =	vst v63  }
.LBB1_10:
0x4d: {  	_ =	sfence.sel $0x180000  }
0x4e: {  	s2 =	simm.s32 $0x1;
	[bflag:$0x0] =	sbarrier.arrive $0xFFFF  }
0x4f: {  	s31 =	simm.s32 $0x2;
	[sflag:s2] =	ssyncpa.u1 $0x1  }
0x50: {  	[sflag:s31] =	ssyncpa.u1 $0x1  }
0x51: {  	p0 =	sne.s32 s0, $0x0;
	_ =	strace $0x90000047  }
0x52: {  	s0 =	sadd.s32 @!p0 $0x100000, s1;
	[bflag:$0x2] =	sbarrier.arrive $0xFFFF  }
0x53: {  	[sflag:s0] =	ssyncadd.tile.s32 @!p0 $0x1;
	_ =	shalt  }
.Lfunc_end1:
_tile_overlayer_lowered:
.L_overlay_start_2:
0x54: {  	(tag) =	ssettag $0x2  }
0x55: {  	s0 =	rddreg [dreg:$0x0];
	s2 =	stileid.u32  }
0x56: {  	s1 =	rddreg [dreg:$0x1];
	p0 =	sne.s32 s2, $0x0  }
0x57: {  	s3 =	rddreg [dreg:$0x2];
	[bflag:$0x3] =	sbarrier.arrive $0xFFFF;
	s2 =	simm.s32 @!p0 $0x1C01  }
0x58: {  	[timem:s3], [sflag:s2] =	dma.local @!p0 [hbm:s0], s1  }
0x59: {  	s0 =	simm.s32 @!p0 $0x1  }
0x5a: {  	_ =	swait.ge @!p0 [sflag:s0], s1  }
0x5b: {  	s1 =	ssub.s32 @!p0 $0x0, s1;
	[sflag:s0] =	ssyncset.done @!p0 $0x0  }
0x5c: {  	[sflag:s0] =	ssyncadd.s32 @!p0 s1  }
0x5d: {  	[bflag:$0x3] =	sbarrier.arrive $0xFFFF  }
0x5e: {  	_ =	shalt  }

</sc_bundles>
